<compile_context>
chip_gen: v7x
topology: tpu7x:2x2x1
jax: 0.10.2.dev20260603
libtpu: 0.0.44.dev20260713+nightly
codegen_flags: <defaults>
</compile_context>

<pallas_src>
import functools

import jax
import jax.numpy as jnp
from jax import lax
from jax.experimental import pallas as pl
from jax.experimental.pallas import tpu as pltpu
from jax.experimental.pallas import tpu_sc as plsc

_D = 256
_K = 8192
_N = 4608
_T = 128
_G = _N // _T
_COMMIT = 0.25
_DECAY = 0.99
_EPS = 1e-05


def _vq_body(x_ref, e_ref, e2_ref, dist_ref, enc_ref, idx_ref,
             counts_ref, lsum_ref, et_ref):
    i = pl.program_id(0)
    x = x_ref[...]
    mm = jnp.dot(x, e_ref[...], preferred_element_type=jnp.float32)
    x2 = jnp.sum(x * x, axis=1, keepdims=True)
    dist = (x2 - 2.0 * mm) + e2_ref[...]
    dist_ref[...] = dist

    mind = jnp.min(dist, axis=1, keepdims=True)
    colids = lax.broadcasted_iota(jnp.int32, dist.shape, 1)
    idx = jnp.min(jnp.where(dist == mind, colids, jnp.int32(_K)), axis=1)
    idx_ref[...] = idx.reshape(1, 1, _T)

    enc = (colids == idx[:, None]).astype(jnp.float32)
    enc_ref[...] = enc

    c = jnp.sum(enc, axis=0, keepdims=True)
    lpart = jnp.sum(mind)

    @pl.when(i == 0)
    def _init():
        counts_ref[...] = c
        lsum_ref[0, 0] = lpart
        et_ref[...] = e_ref[...].T

    @pl.when(i != 0)
    def _acc():
        counts_ref[...] += c
        lsum_ref[0, 0] += lpart


def _vq_core(flat_x, embeddings, e2):
    return pl.pallas_call(
        _vq_body,
        grid=(_G,),
        in_specs=[
            pl.BlockSpec((_T, _D), lambda i: (i, 0)),
            pl.BlockSpec((_D, _K), lambda i: (0, 0)),
            pl.BlockSpec((1, _K), lambda i: (0, 0)),
        ],
        out_specs=[
            pl.BlockSpec((_T, _K), lambda i: (i, 0)),
            pl.BlockSpec((_T, _K), lambda i: (i, 0)),
            pl.BlockSpec((1, 1, _T), lambda i: (i, 0, 0)),
            pl.BlockSpec((1, _K), lambda i: (0, 0)),
            pl.BlockSpec(memory_space=pltpu.SMEM, block_shape=(1, 1),
                         index_map=lambda i: (0, 0)),
            pl.BlockSpec((_K, _D), lambda i: (0, 0)),
        ],
        out_shape=[
            jax.ShapeDtypeStruct((_N, _K), jnp.float32),
            jax.ShapeDtypeStruct((_N, _K), jnp.float32),
            jax.ShapeDtypeStruct((_G, 1, _T), jnp.int32),
            jax.ShapeDtypeStruct((1, _K), jnp.float32),
            jax.ShapeDtypeStruct((1, 1), jnp.float32),
            jax.ShapeDtypeStruct((_K, _D), jnp.float32),
        ],
    )(flat_x, embeddings, e2)


_EB = 1024
_EG = _K // _EB


def _ema_body(counts_ref, csh_ref, lsum_ref, scal_ref, dwt_ref, dwh_ref,
              e_ref, newe_ref, loss_ref, perp_ref, stab_ref):
    j = pl.program_id(0)
    bias = scal_ref[0, 0]
    training = scal_ref[0, 1]

    @pl.when(j == 0)
    def _scalars():
        counts = counts_ref[...]
        upd_cs = (csh_ref[...] * _DECAY + counts * (1.0 - _DECAY)) / bias
        n = jnp.sum(upd_cs)
        stab_ref[...] = (n + _K * _EPS) / ((upd_cs + _EPS) * n)
        avg = counts * (1.0 / _N)
        perp_ref[0, 0] = jnp.exp(-jnp.sum(avg * jnp.log(avg + 1e-10)))
        loss_ref[0, 0] = (_COMMIT / (_N * _D)) * lsum_ref[0, 0]

    dwb = dwt_ref[...].T
    upd_dw = (dwh_ref[...] * _DECAY + dwb * (1.0 - _DECAY)) / bias
    inv = stab_ref[:, pl.ds(j * _EB, _EB)]
    newe_ref[...] = jnp.where(training != 0.0, upd_dw * inv, e_ref[...])


def _ema_core(counts2d, cs_hidden, lsum, scalars, dwt, dw_hidden, embeddings):
    return pl.pallas_call(
        _ema_body,
        grid=(_EG,),
        in_specs=[
            pl.BlockSpec((1, _K), lambda j: (0, 0)),
            pl.BlockSpec((1, _K), lambda j: (0, 0)),
            pl.BlockSpec(memory_space=pltpu.SMEM, block_shape=(1, 1),
                         index_map=lambda j: (0, 0)),
            pl.BlockSpec(memory_space=pltpu.SMEM, block_shape=(1, 2),
                         index_map=lambda j: (0, 0)),
            pl.BlockSpec((_EB, _D), lambda j: (j, 0)),
            pl.BlockSpec((_D, _EB), lambda j: (0, j)),
            pl.BlockSpec((_D, _EB), lambda j: (0, j)),
        ],
        out_specs=[
            pl.BlockSpec((_D, _EB), lambda j: (0, j)),
            pl.BlockSpec(memory_space=pltpu.SMEM, block_shape=(1, 1),
                         index_map=lambda j: (0, 0)),
            pl.BlockSpec(memory_space=pltpu.SMEM, block_shape=(1, 1),
                         index_map=lambda j: (0, 0)),
        ],
        out_shape=[
            jax.ShapeDtypeStruct((_D, _K), jnp.float32),
            jax.ShapeDtypeStruct((1, 1), jnp.float32),
            jax.ShapeDtypeStruct((1, 1), jnp.float32),
        ],
        scratch_shapes=[pltpu.VMEM((1, _K), jnp.float32)],
    )(counts2d, cs_hidden, lsum, scalars, dwt, dw_hidden, embeddings)


def _make_sc_gather_dw():
    info = plsc.get_sparse_core_info()
    nc, ns = info.num_cores, info.num_subcores
    nw = nc * ns
    bpw = _N // nw
    tps = _N // ns
    hd = _D // nc
    rps = _K // ns
    mesh = plsc.VectorSubcoreMesh(core_axis_name="c", subcore_axis_name="s")

    gch = bpw // 2

    @functools.partial(
        pl.kernel, mesh=mesh,
        out_type=[
            jax.ShapeDtypeStruct((_N, _D), jnp.float32),
            jax.ShapeDtypeStruct((_K, _D), jnp.float32),
        ],
        scratch_types=[
            pltpu.VMEM((gch,), jnp.int32),
            pltpu.VMEM((gch, _D), jnp.float32),
            pltpu.VMEM((tps,), jnp.int32),
            pltpu.VMEM((tps, hd), jnp.float32),
            pltpu.VMEM_SHARED((_K, hd), jnp.float32),
            pltpu.SemaphoreType.DMA,
        ],
    )
    def k(table_hbm, idx_hbm, x_hbm, zeros_hbm, q_out, dwt_out,
          gidx_v, grows_v, sidx_v, xrows_v, dwt_sh, sem):
        c = lax.axis_index("c")
        s = lax.axis_index("s")
        wid = s * nc + c
        pltpu.sync_copy(zeros_hbm.at[pl.ds(s * rps, rps)],
                        dwt_sh.at[pl.ds(s * rps, rps)])
        for h in range(2):
            gbase = wid * bpw + h * gch
            pltpu.sync_copy(idx_hbm.at[pl.ds(gbase, gch)], gidx_v)
            pltpu.async_copy(table_hbm.at[gidx_v], grows_v, sem).wait()
            pltpu.sync_copy(grows_v, q_out.at[pl.ds(gbase, gch)])
        tbase = s * tps
        pltpu.sync_copy(idx_hbm.at[pl.ds(tbase, tps)], sidx_v)
        pltpu.sync_copy(
            x_hbm.at[pl.ds(tbase, tps), pl.ds(c * hd, hd)], xrows_v)
        plsc.subcore_barrier()
        pltpu.sync_copy(xrows_v, dwt_sh.at[sidx_v], add=True)
        plsc.subcore_barrier()
        pltpu.sync_copy(dwt_sh.at[pl.ds(s * rps, rps)],
                        dwt_out.at[pl.ds(s * rps, rps), pl.ds(c * hd, hd)])

    return k


def kernel(inputs, is_training, embeddings, ema_cluster_size_hidden,
           ema_dw_hidden, counter):
    flat_x = inputs.reshape(_N, _D)
    e2 = jnp.sum(embeddings ** 2, axis=0, keepdims=True)

    distances, encodings, idx_blocks, counts2d, lsum, table = _vq_core(
        flat_x, embeddings, e2)

    idx_flat = idx_blocks.reshape(_N)
    encoding_indices = idx_flat.reshape(inputs.shape[:-1])

    zeros_kd = jnp.zeros((_K, _D // 2), jnp.float32)
    gathered, dwt = _make_sc_gather_dw()(table, idx_flat, flat_x, zeros_kd)
    quantized = gathered.reshape(inputs.shape)

    bias = 1.0 - jnp.power(_DECAY, (counter + 1).astype(jnp.float32))
    scalars = jnp.stack(
        [bias, jnp.asarray(is_training, jnp.float32)]).reshape(1, 2)
    new_embeddings, loss2d, perp2d = _ema_core(
        counts2d, ema_cluster_size_hidden.reshape(1, _K), lsum, scalars,
        dwt, ema_dw_hidden, embeddings)

    return (quantized, loss2d[0, 0], perp2d[0, 0], encodings,
            encoding_indices, distances, new_embeddings)

# --- scband reference (transcript-rebuilt; emitter-appended) ---
"""Pipeline reference for scband-vector-quantizer-ema-10127532884671 (READ-ONLY COPY).

The authoritative reference and input builder live on the scoring server;
editing this copy changes nothing except your own understanding.
"""

import jax, jax.numpy as jnp
import numpy as np

EMBEDDING_DIM = 256
NUM_EMBEDDINGS = 8192
COMMITMENT_COST = 0.25
DECAY = 0.99
EPSILON = 1e-05


def setup_inputs(seed: int = 0) -> dict:
    key = jax.random.key(seed)
    k1, k2 = jax.random.split(key)
    inputs = jax.random.normal(k1, (8, 576, EMBEDDING_DIM), dtype=jnp.float32)
    # hk.initializers.VarianceScaling(distribution='uniform'): fan_in = EMBEDDING_DIM for shape [D, K]
    limit = float(np.sqrt(3.0 / EMBEDDING_DIM))
    embeddings = jax.random.uniform(k2, (EMBEDDING_DIM, NUM_EMBEDDINGS), jnp.float32, -limit, limit)
    return {
        'inputs': inputs,
        'is_training': True,
        'embeddings': embeddings,
        'ema_cluster_size_hidden': jnp.zeros((NUM_EMBEDDINGS,), jnp.float32),
        'ema_dw_hidden': jnp.zeros((EMBEDDING_DIM, NUM_EMBEDDINGS), jnp.float32),
        'counter': jnp.zeros((), jnp.int32),
    }


def _ema_update(hidden, value, counter, decay=DECAY):
    # Faithful to haiku ExponentialMovingAverage with zero_debias=True,
    # hidden initialized to zeros by .initialize(), counter starting at 0.
    counter = counter + 1
    hidden = hidden * decay + value * (1.0 - decay)
    average = hidden / (1.0 - jnp.power(decay, counter.astype(hidden.dtype)))
    return average


def reference(inputs, is_training, embeddings, ema_cluster_size_hidden, ema_dw_hidden, counter):
    flat_inputs = jnp.reshape(inputs, [-1, EMBEDDING_DIM])
    distances = (jnp.sum(flat_inputs ** 2, 1, keepdims=True)
                 - 2 * jnp.matmul(flat_inputs, embeddings)
                 + jnp.sum(embeddings ** 2, 0, keepdims=True))
    encoding_indices = jnp.argmax(-distances, 1)
    encodings = jax.nn.one_hot(encoding_indices, NUM_EMBEDDINGS, dtype=distances.dtype)
    encoding_indices = jnp.reshape(encoding_indices, inputs.shape[:-1])
    w = embeddings.swapaxes(1, 0)
    quantized = w[encoding_indices]
    e_latent_loss = jnp.mean((jax.lax.stop_gradient(quantized) - inputs) ** 2)
    updated_ema_cluster_size = _ema_update(ema_cluster_size_hidden, jnp.sum(encodings, axis=0), counter)
    dw = jnp.matmul(flat_inputs.T, encodings)
    updated_ema_dw = _ema_update(ema_dw_hidden, dw, counter)
    n = jnp.sum(updated_ema_cluster_size)
    updated_ema_cluster_size = ((updated_ema_cluster_size + EPSILON)
                                / (n + NUM_EMBEDDINGS * EPSILON) * n)
    trained_embeddings = updated_ema_dw / jnp.reshape(updated_ema_cluster_size, [1, -1])
    new_embeddings = jnp.where(is_training, trained_embeddings, embeddings)
    loss = COMMITMENT_COST * e_latent_loss
    quantized = inputs + jax.lax.stop_gradient(quantized - inputs)
    avg_probs = jnp.mean(encodings, 0)
    perplexity = jnp.exp(-jnp.sum(avg_probs * jnp.log(avg_probs + 1e-10)))
    return (quantized, loss, perplexity, encodings, encoding_indices, distances, new_embeddings)

if __name__ == "__main__":
    import jax
    _d = setup_inputs()
    print(jax.jit(kernel)(*tuple(_d.values())))

</pallas_src>

<mosaic_0001>
#map = affine_map<(d0, d1) -> (0, 0)>
#map1 = affine_map<(d0, d1) -> (0)>
module attributes {stable_mosaic.version = 14 : i64} {
  func.func @k(%arg0: i32, %arg1: i32, %arg2: memref<8192x256xf32, #tpu.memory_space<hbm>>, %arg3: memref<4608xi32, #tpu.memory_space<hbm>>, %arg4: memref<4608x256xf32, #tpu.memory_space<hbm>>, %arg5: memref<8192x128xf32, #tpu.memory_space<hbm>>, %arg6: memref<4608x256xf32, #tpu.memory_space<hbm>>, %arg7: memref<8192x256xf32, #tpu.memory_space<hbm>>, %arg8: memref<72xi32, #tpu.memory_space<vmem>>, %arg9: memref<72x256xf32, #tpu.memory_space<vmem>>, %arg10: memref<288xi32, #tpu.memory_space<vmem>>, %arg11: memref<288x128xf32, #tpu.memory_space<vmem>>, %arg12: memref<8192x128xf32, #tpu.memory_space<vmem_shared>>, %arg13: memref<!tpu.dma_semaphore, #tpu.memory_space<semaphore_mem>>) attributes {dimension_semantics = [#tpu.dimension_semantics<core_parallel>, #tpu.dimension_semantics<subcore_parallel>], iteration_bounds = array<i64: 2, 16>, scalar_prefetch = 0 : i64, scratch_operands = 6 : i64, tpu.core_type = #tpu.core_type<sc_vector_subcore>, window_params = [{transform_indices = #map}, {transform_indices = #map1}, {transform_indices = #map}, {transform_indices = #map}, {transform_indices = #map}, {transform_indices = #map}]} {
    %mul3A = arith.constant 2 : i32
    %mul3A_0 = arith.muli %arg1, %mul3A : i32
    %add3A = arith.addi %mul3A_0, %arg0 : i32
    %mul3A_1 = arith.constant 512 : i32
    %mul3A_2 = arith.muli %arg1, %mul3A_1 : i32
    %mul3A_3 = arith.constant 512 : i32
    %mul3A_4 = arith.muli %arg1, %mul3A_3 : i32
    "tpu.region"() ({
      %run_scoped3A = tpu.sem_alloc : memref<!tpu.dma_semaphore, #tpu.memory_space<semaphore_mem>>
      %dma_start3A_34 = arith.constant 0 : i32
      %dma_start3A_35 = tpu.memref_slice %arg12[%mul3A_4, %dma_start3A_34] : memref<8192x128xf32, #tpu.memory_space<vmem_shared>> -> memref<512x128xf32, #tpu.memory_space<vmem_shared>>
      %dma_start3A_36 = arith.constant 0 : i32
      %dma_start3A_37 = tpu.memref_slice %arg5[%mul3A_2, %dma_start3A_36] : memref<8192x128xf32, #tpu.memory_space<hbm>> -> memref<512x128xf32, #tpu.memory_space<hbm>>
      tpu.enqueue_dma source(%dma_start3A_37 : memref<512x128xf32, #tpu.memory_space<hbm>>) target(%dma_start3A_35 : memref<512x128xf32, #tpu.memory_space<vmem_shared>>) target_semaphore(%run_scoped3A : memref<!tpu.dma_semaphore, #tpu.memory_space<semaphore_mem>>)
      %dma_wait3A_38 = arith.constant 0 : i32
      %dma_wait3A_39 = tpu.memref_slice %arg12[%mul3A_4, %dma_wait3A_38] : memref<8192x128xf32, #tpu.memory_space<vmem_shared>> -> memref<512x128xf32, #tpu.memory_space<vmem_shared>>
      %dma_wait3A_40 = arith.constant 0 : i32
      %dma_wait3A_41 = tpu.memref_slice %arg5[%mul3A_2, %dma_wait3A_40] : memref<8192x128xf32, #tpu.memory_space<hbm>> -> memref<512x128xf32, #tpu.memory_space<hbm>>
      tpu.wait_dma2 semaphore(%run_scoped3A : memref<!tpu.dma_semaphore, #tpu.memory_space<semaphore_mem>>) src(%dma_wait3A_41 : memref<512x128xf32, #tpu.memory_space<hbm>>) dst(%dma_wait3A_39 : memref<512x128xf32, #tpu.memory_space<vmem_shared>>)
      tpu.yield
    }) : () -> ()
    %mul3A_5 = arith.constant 144 : i32
    %mul3A_6 = arith.muli %add3A, %mul3A_5 : i32
    %add3A_7 = arith.constant 0 : i32
    %add3A_8 = arith.addi %mul3A_6, %add3A_7 : i32
    "tpu.region"() ({
      %run_scoped3A = tpu.sem_alloc : memref<!tpu.dma_semaphore, #tpu.memory_space<semaphore_mem>>
      %dma_start3A_34 = tpu.memref_slice %arg3[%add3A_8] : memref<4608xi32, #tpu.memory_space<hbm>> -> memref<72xi32, #tpu.memory_space<hbm>>
      %dma_start3A_35 = tpu.memref_slice %arg3[%add3A_8] : memref<4608xi32, #tpu.memory_space<hbm>> -> memref<72xi32, #tpu.memory_space<hbm>>
      tpu.enqueue_dma source(%dma_start3A_35 : memref<72xi32, #tpu.memory_space<hbm>>) target(%arg8 : memref<72xi32, #tpu.memory_space<vmem>>) target_semaphore(%run_scoped3A : memref<!tpu.dma_semaphore, #tpu.memory_space<semaphore_mem>>)
      %dma_wait3A_36 = tpu.memref_slice %arg3[%add3A_8] : memref<4608xi32, #tpu.memory_space<hbm>> -> memref<72xi32, #tpu.memory_space<hbm>>
      %dma_wait3A_37 = tpu.memref_slice %arg3[%add3A_8] : memref<4608xi32, #tpu.memory_space<hbm>> -> memref<72xi32, #tpu.memory_space<hbm>>
      tpu.wait_dma2 semaphore(%run_scoped3A : memref<!tpu.dma_semaphore, #tpu.memory_space<semaphore_mem>>) src(%dma_wait3A_37 : memref<72xi32, #tpu.memory_space<hbm>>) dst(%arg8 : memref<72xi32, #tpu.memory_space<vmem>>)
      tpu.yield
    }) : () -> ()
    %dma_start3A = arith.constant 0 : i32
    %dma_start3A_9 = arith.constant 0 : i32
    %dma_start3A_10 = tpu.memref_slice %arg2[%dma_start3A, %dma_start3A_9] : memref<8192x256xf32, #tpu.memory_space<hbm>> -> memref<8192x256xf32, #tpu.memory_space<hbm>>
    tpu.enqueue_indirect_dma source(%dma_start3A_10 : memref<8192x256xf32, #tpu.memory_space<hbm>>) target(%arg9 : memref<72x256xf32, #tpu.memory_space<vmem>>) offsets(%arg8 : memref<72xi32, #tpu.memory_space<vmem>>) semaphore(%arg13 : memref<!tpu.dma_semaphore, #tpu.memory_space<semaphore_mem>>)
    %dma_wait3A = arith.constant 0 : i32
    %dma_wait3A_11 = arith.constant 0 : i32
    %dma_wait3A_12 = tpu.memref_slice %arg2[%dma_wait3A, %dma_wait3A_11] : memref<8192x256xf32, #tpu.memory_space<hbm>> -> memref<8192x256xf32, #tpu.memory_space<hbm>>
    tpu.wait_indirect_dma semaphore(%arg13 : memref<!tpu.dma_semaphore, #tpu.memory_space<semaphore_mem>>) src(%dma_wait3A_12 : memref<8192x256xf32, #tpu.memory_space<hbm>>) dst(%arg9 : memref<72x256xf32, #tpu.memory_space<vmem>>)
    "tpu.region"() ({
      %run_scoped3A = tpu.sem_alloc : memref<!tpu.dma_semaphore, #tpu.memory_space<semaphore_mem>>
      %dma_start3A_34 = arith.constant 0 : i32
      %dma_start3A_35 = tpu.memref_slice %arg6[%add3A_8, %dma_start3A_34] : memref<4608x256xf32, #tpu.memory_space<hbm>> -> memref<72x256xf32, #tpu.memory_space<hbm>>
      %dma_start3A_36 = arith.constant 0 : i32
      %dma_start3A_37 = tpu.memref_slice %arg6[%add3A_8, %dma_start3A_36] : memref<4608x256xf32, #tpu.memory_space<hbm>> -> memref<72x256xf32, #tpu.memory_space<hbm>>
      tpu.enqueue_dma source(%arg9 : memref<72x256xf32, #tpu.memory_space<vmem>>) target(%dma_start3A_37 : memref<72x256xf32, #tpu.memory_space<hbm>>) target_semaphore(%run_scoped3A : memref<!tpu.dma_semaphore, #tpu.memory_space<semaphore_mem>>)
      %dma_wait3A_38 = arith.constant 0 : i32
      %dma_wait3A_39 = tpu.memref_slice %arg6[%add3A_8, %dma_wait3A_38] : memref<4608x256xf32, #tpu.memory_space<hbm>> -> memref<72x256xf32, #tpu.memory_space<hbm>>
      %dma_wait3A_40 = arith.constant 0 : i32
      %dma_wait3A_41 = tpu.memref_slice %arg6[%add3A_8, %dma_wait3A_40] : memref<4608x256xf32, #tpu.memory_space<hbm>> -> memref<72x256xf32, #tpu.memory_space<hbm>>
      tpu.wait_dma2 semaphore(%run_scoped3A : memref<!tpu.dma_semaphore, #tpu.memory_space<semaphore_mem>>) src(%arg9 : memref<72x256xf32, #tpu.memory_space<vmem>>) dst(%dma_wait3A_41 : memref<72x256xf32, #tpu.memory_space<hbm>>)
      tpu.yield
    }) : () -> ()
    %mul3A_13 = arith.constant 144 : i32
    %mul3A_14 = arith.muli %add3A, %mul3A_13 : i32
    %add3A_15 = arith.constant 72 : i32
    %add3A_16 = arith.addi %mul3A_14, %add3A_15 : i32
    "tpu.region"() ({
      %run_scoped3A = tpu.sem_alloc : memref<!tpu.dma_semaphore, #tpu.memory_space<semaphore_mem>>
      %dma_start3A_34 = tpu.memref_slice %arg3[%add3A_16] : memref<4608xi32, #tpu.memory_space<hbm>> -> memref<72xi32, #tpu.memory_space<hbm>>
      %dma_start3A_35 = tpu.memref_slice %arg3[%add3A_16] : memref<4608xi32, #tpu.memory_space<hbm>> -> memref<72xi32, #tpu.memory_space<hbm>>
      tpu.enqueue_dma source(%dma_start3A_35 : memref<72xi32, #tpu.memory_space<hbm>>) target(%arg8 : memref<72xi32, #tpu.memory_space<vmem>>) target_semaphore(%run_scoped3A : memref<!tpu.dma_semaphore, #tpu.memory_space<semaphore_mem>>)
      %dma_wait3A_36 = tpu.memref_slice %arg3[%add3A_16] : memref<4608xi32, #tpu.memory_space<hbm>> -> memref<72xi32, #tpu.memory_space<hbm>>
      %dma_wait3A_37 = tpu.memref_slice %arg3[%add3A_16] : memref<4608xi32, #tpu.memory_space<hbm>> -> memref<72xi32, #tpu.memory_space<hbm>>
      tpu.wait_dma2 semaphore(%run_scoped3A : memref<!tpu.dma_semaphore, #tpu.memory_space<semaphore_mem>>) src(%dma_wait3A_37 : memref<72xi32, #tpu.memory_space<hbm>>) dst(%arg8 : memref<72xi32, #tpu.memory_space<vmem>>)
      tpu.yield
    }) : () -> ()
    %dma_start3A_17 = arith.constant 0 : i32
    %dma_start3A_18 = arith.constant 0 : i32
    %dma_start3A_19 = tpu.memref_slice %arg2[%dma_start3A_17, %dma_start3A_18] : memref<8192x256xf32, #tpu.memory_space<hbm>> -> memref<8192x256xf32, #tpu.memory_space<hbm>>
    tpu.enqueue_indirect_dma source(%dma_start3A_19 : memref<8192x256xf32, #tpu.memory_space<hbm>>) target(%arg9 : memref<72x256xf32, #tpu.memory_space<vmem>>) offsets(%arg8 : memref<72xi32, #tpu.memory_space<vmem>>) semaphore(%arg13 : memref<!tpu.dma_semaphore, #tpu.memory_space<semaphore_mem>>)
    %dma_wait3A_20 = arith.constant 0 : i32
    %dma_wait3A_21 = arith.constant 0 : i32
    %dma_wait3A_22 = tpu.memref_slice %arg2[%dma_wait3A_20, %dma_wait3A_21] : memref<8192x256xf32, #tpu.memory_space<hbm>> -> memref<8192x256xf32, #tpu.memory_space<hbm>>
    tpu.wait_indirect_dma semaphore(%arg13 : memref<!tpu.dma_semaphore, #tpu.memory_space<semaphore_mem>>) src(%dma_wait3A_22 : memref<8192x256xf32, #tpu.memory_space<hbm>>) dst(%arg9 : memref<72x256xf32, #tpu.memory_space<vmem>>)
    "tpu.region"() ({
      %run_scoped3A = tpu.sem_alloc : memref<!tpu.dma_semaphore, #tpu.memory_space<semaphore_mem>>
      %dma_start3A_34 = arith.constant 0 : i32
      %dma_start3A_35 = tpu.memref_slice %arg6[%add3A_16, %dma_start3A_34] : memref<4608x256xf32, #tpu.memory_space<hbm>> -> memref<72x256xf32, #tpu.memory_space<hbm>>
      %dma_start3A_36 = arith.constant 0 : i32
      %dma_start3A_37 = tpu.memref_slice %arg6[%add3A_16, %dma_start3A_36] : memref<4608x256xf32, #tpu.memory_space<hbm>> -> memref<72x256xf32, #tpu.memory_space<hbm>>
      tpu.enqueue_dma source(%arg9 : memref<72x256xf32, #tpu.memory_space<vmem>>) target(%dma_start3A_37 : memref<72x256xf32, #tpu.memory_space<hbm>>) target_semaphore(%run_scoped3A : memref<!tpu.dma_semaphore, #tpu.memory_space<semaphore_mem>>)
      %dma_wait3A_38 = arith.constant 0 : i32
      %dma_wait3A_39 = tpu.memref_slice %arg6[%add3A_16, %dma_wait3A_38] : memref<4608x256xf32, #tpu.memory_space<hbm>> -> memref<72x256xf32, #tpu.memory_space<hbm>>
      %dma_wait3A_40 = arith.constant 0 : i32
      %dma_wait3A_41 = tpu.memref_slice %arg6[%add3A_16, %dma_wait3A_40] : memref<4608x256xf32, #tpu.memory_space<hbm>> -> memref<72x256xf32, #tpu.memory_space<hbm>>
      tpu.wait_dma2 semaphore(%run_scoped3A : memref<!tpu.dma_semaphore, #tpu.memory_space<semaphore_mem>>) src(%arg9 : memref<72x256xf32, #tpu.memory_space<vmem>>) dst(%dma_wait3A_41 : memref<72x256xf32, #tpu.memory_space<hbm>>)
      tpu.yield
    }) : () -> ()
    %mul3A_23 = arith.constant 288 : i32
    %mul3A_24 = arith.muli %arg1, %mul3A_23 : i32
    "tpu.region"() ({
      %run_scoped3A = tpu.sem_alloc : memref<!tpu.dma_semaphore, #tpu.memory_space<semaphore_mem>>
      %dma_start3A_34 = tpu.memref_slice %arg3[%mul3A_24] : memref<4608xi32, #tpu.memory_space<hbm>> -> memref<288xi32, #tpu.memory_space<hbm>>
      %dma_start3A_35 = tpu.memref_slice %arg3[%mul3A_24] : memref<4608xi32, #tpu.memory_space<hbm>> -> memref<288xi32, #tpu.memory_space<hbm>>
      tpu.enqueue_dma source(%dma_start3A_35 : memref<288xi32, #tpu.memory_space<hbm>>) target(%arg10 : memref<288xi32, #tpu.memory_space<vmem>>) target_semaphore(%run_scoped3A : memref<!tpu.dma_semaphore, #tpu.memory_space<semaphore_mem>>)
      %dma_wait3A_36 = tpu.memref_slice %arg3[%mul3A_24] : memref<4608xi32, #tpu.memory_space<hbm>> -> memref<288xi32, #tpu.memory_space<hbm>>
      %dma_wait3A_37 = tpu.memref_slice %arg3[%mul3A_24] : memref<4608xi32, #tpu.memory_space<hbm>> -> memref<288xi32, #tpu.memory_space<hbm>>
      tpu.wait_dma2 semaphore(%run_scoped3A : memref<!tpu.dma_semaphore, #tpu.memory_space<semaphore_mem>>) src(%dma_wait3A_37 : memref<288xi32, #tpu.memory_space<hbm>>) dst(%arg10 : memref<288xi32, #tpu.memory_space<vmem>>)
      tpu.yield
    }) : () -> ()
    %mul3A_25 = arith.constant 128 : i32
    %mul3A_26 = arith.muli %arg0, %mul3A_25 : i32
    "tpu.region"() ({
      %run_scoped3A = tpu.sem_alloc : memref<!tpu.dma_semaphore, #tpu.memory_space<semaphore_mem>>
      %dma_start3A_34 = tpu.memref_slice %arg4[%mul3A_24, %mul3A_26] : memref<4608x256xf32, #tpu.memory_space<hbm>> -> memref<288x128xf32, #tpu.memory_space<hbm>>
      %dma_start3A_35 = tpu.memref_slice %arg4[%mul3A_24, %mul3A_26] : memref<4608x256xf32, #tpu.memory_space<hbm>> -> memref<288x128xf32, #tpu.memory_space<hbm>>
      tpu.enqueue_dma source(%dma_start3A_35 : memref<288x128xf32, #tpu.memory_space<hbm>>) target(%arg11 : memref<288x128xf32, #tpu.memory_space<vmem>>) target_semaphore(%run_scoped3A : memref<!tpu.dma_semaphore, #tpu.memory_space<semaphore_mem>>)
      %dma_wait3A_36 = tpu.memref_slice %arg4[%mul3A_24, %mul3A_26] : memref<4608x256xf32, #tpu.memory_space<hbm>> -> memref<288x128xf32, #tpu.memory_space<hbm>>
      %dma_wait3A_37 = tpu.memref_slice %arg4[%mul3A_24, %mul3A_26] : memref<4608x256xf32, #tpu.memory_space<hbm>> -> memref<288x128xf32, #tpu.memory_space<hbm>>
      tpu.wait_dma2 semaphore(%run_scoped3A : memref<!tpu.dma_semaphore, #tpu.memory_space<semaphore_mem>>) src(%dma_wait3A_37 : memref<288x128xf32, #tpu.memory_space<hbm>>) dst(%arg11 : memref<288x128xf32, #tpu.memory_space<vmem>>)
      tpu.yield
    }) : () -> ()
    %barrier3A = arith.constant 0 : index
    tpu.barrier barrier_id(%barrier3A)
    "tpu.region"() ({
      %run_scoped3A = tpu.sem_alloc : memref<!tpu.dma_semaphore, #tpu.memory_space<semaphore_mem>>
      %dma_start3A_34 = arith.constant 0 : i32
      %dma_start3A_35 = arith.constant 0 : i32
      %dma_start3A_36 = tpu.memref_slice %arg12[%dma_start3A_34, %dma_start3A_35] : memref<8192x128xf32, #tpu.memory_space<vmem_shared>> -> memref<8192x128xf32, #tpu.memory_space<vmem_shared>>
      tpu.enqueue_indirect_dma source(%arg11 : memref<288x128xf32, #tpu.memory_space<vmem>>) target(%dma_start3A_36 : memref<8192x128xf32, #tpu.memory_space<vmem_shared>>) offsets(%arg10 : memref<288xi32, #tpu.memory_space<vmem>>) semaphore(%run_scoped3A : memref<!tpu.dma_semaphore, #tpu.memory_space<semaphore_mem>>) {add = true}
      %dma_wait3A_37 = arith.constant 0 : i32
      %dma_wait3A_38 = arith.constant 0 : i32
      %dma_wait3A_39 = tpu.memref_slice %arg12[%dma_wait3A_37, %dma_wait3A_38] : memref<8192x128xf32, #tpu.memory_space<vmem_shared>> -> memref<8192x128xf32, #tpu.memory_space<vmem_shared>>
      tpu.wait_indirect_dma semaphore(%run_scoped3A : memref<!tpu.dma_semaphore, #tpu.memory_space<semaphore_mem>>) src(%arg11 : memref<288x128xf32, #tpu.memory_space<vmem>>) dst(%dma_wait3A_39 : memref<8192x128xf32, #tpu.memory_space<vmem_shared>>)
      tpu.yield
    }) : () -> ()
    %barrier3A_27 = arith.constant 0 : index
    tpu.barrier barrier_id(%barrier3A_27)
    %mul3A_28 = arith.constant 512 : i32
    %mul3A_29 = arith.muli %arg1, %mul3A_28 : i32
    %mul3A_30 = arith.constant 512 : i32
    %mul3A_31 = arith.muli %arg1, %mul3A_30 : i32
    %mul3A_32 = arith.constant 128 : i32
    %mul3A_33 = arith.muli %arg0, %mul3A_32 : i32
    "tpu.region"() ({
      %run_scoped3A = tpu.sem_alloc : memref<!tpu.dma_semaphore, #tpu.memory_space<semaphore_mem>>
      %dma_start3A_34 = tpu.memref_slice %arg7[%mul3A_31, %mul3A_33] : memref<8192x256xf32, #tpu.memory_space<hbm>> -> memref<512x128xf32, #tpu.memory_space<hbm>>
      %dma_start3A_35 = arith.constant 0 : i32
      %dma_start3A_36 = tpu.memref_slice %arg12[%mul3A_29, %dma_start3A_35] : memref<8192x128xf32, #tpu.memory_space<vmem_shared>> -> memref<512x128xf32, #tpu.memory_space<vmem_shared>>
      tpu.enqueue_dma source(%dma_start3A_36 : memref<512x128xf32, #tpu.memory_space<vmem_shared>>) target(%dma_start3A_34 : memref<512x128xf32, #tpu.memory_space<hbm>>) target_semaphore(%run_scoped3A : memref<!tpu.dma_semaphore, #tpu.memory_space<semaphore_mem>>)
      %dma_wait3A_37 = tpu.memref_slice %arg7[%mul3A_31, %mul3A_33] : memref<8192x256xf32, #tpu.memory_space<hbm>> -> memref<512x128xf32, #tpu.memory_space<hbm>>
      %dma_wait3A_38 = arith.constant 0 : i32
      %dma_wait3A_39 = tpu.memref_slice %arg12[%mul3A_29, %dma_wait3A_38] : memref<8192x128xf32, #tpu.memory_space<vmem_shared>> -> memref<512x128xf32, #tpu.memory_space<vmem_shared>>
      tpu.wait_dma2 semaphore(%run_scoped3A : memref<!tpu.dma_semaphore, #tpu.memory_space<semaphore_mem>>) src(%dma_wait3A_39 : memref<512x128xf32, #tpu.memory_space<vmem_shared>>) dst(%dma_wait3A_37 : memref<512x128xf32, #tpu.memory_space<hbm>>)
      tpu.yield
    }) : () -> ()
    return
  }
}

module attributes {stable_mosaic.version = 14 : i64} {
  func.func @_vq_body(%arg0: i32, %arg1: memref<128x256xf32, #tpu.memory_space<vmem>>, %arg2: memref<256x8192xf32, #tpu.memory_space<vmem>>, %arg3: memref<1x8192xf32, #tpu.memory_space<vmem>>, %arg4: memref<128x8192xf32, #tpu.memory_space<vmem>>, %arg5: memref<128x8192xf32, #tpu.memory_space<vmem>>, %arg6: memref<1x1x128xi32, #tpu.memory_space<vmem>>, %arg7: memref<1x8192xf32, #tpu.memory_space<vmem>>, %arg8: memref<1x1xf32, #tpu.memory_space<smem>>, %arg9: memref<8192x256xf32, #tpu.memory_space<vmem>>) attributes {dimension_semantics = [#tpu.dimension_semantics<arbitrary>], iteration_bounds = array<i64: 36>, scalar_prefetch = 0 : i64, scratch_operands = 0 : i64, tpu.core_type = #tpu.core_type<tc>, window_params = [{transform_indices = @transform_0, window_bounds = array<i64: 128, 256>}, {pipeline_mode = #tpu.pipeline_mode<synchronous>, transform_indices = @transform_1, window_bounds = array<i64: 256, 8192>}, {pipeline_mode = #tpu.pipeline_mode<synchronous>, transform_indices = @transform_2, window_bounds = array<i64: 1, 8192>}, {transform_indices = @transform_3, window_bounds = array<i64: 128, 8192>}, {transform_indices = @transform_4, window_bounds = array<i64: 128, 8192>}, {transform_indices = @transform_5, window_bounds = array<i64: 1, 1, 128>}, {pipeline_mode = #tpu.pipeline_mode<synchronous>, transform_indices = @transform_6, window_bounds = array<i64: 1, 8192>}, {transform_indices = @transform_7, window_bounds = array<i64: 1, 1>}, {pipeline_mode = #tpu.pipeline_mode<synchronous>, transform_indices = @transform_8, window_bounds = array<i64: 8192, 256>}]} {
    %get3A = arith.constant 0 : index
    %get3A_0 = arith.constant 0 : index
    %get3A_1 = vector.load %arg1[%get3A, %get3A_0] : memref<128x256xf32, #tpu.memory_space<vmem>>, vector<128x256xf32>
    %get3A_2 = arith.constant 0 : index
    %get3A_3 = arith.constant 0 : index
    %get3A_4 = vector.load %arg2[%get3A_2, %get3A_3] : memref<256x8192xf32, #tpu.memory_space<vmem>>, vector<256x8192xf32>
    %dot_general3A = arith.constant dense<0.000000e+00> : vector<128x8192xf32>
    %dot_general3A_5 = tpu.matmul %get3A_1, %get3A_4, %dot_general3A {dimension_numbers = #tpu.dot_dimension_numbers<[1], [0], [0], [1], [0, 0, 1, 1], [], []>, transpose_lhs_hint = false} : vector<128x256xf32>, vector<256x8192xf32>, vector<128x8192xf32> -> vector<128x8192xf32>
    %mul3A = arith.mulf %get3A_1, %get3A_1 : vector<128x256xf32>
    %reduce_sum3A = arith.constant dense<0.000000e+00> : vector<128xf32>
    %reduce_sum3A_6 = vector.multi_reduction <add>, %mul3A, %reduce_sum3A [1] : vector<128x256xf32> to vector<128xf32>
    %broadcast_in_dim3A = vector.shape_cast %reduce_sum3A_6 : vector<128xf32> to vector<128x1xf32>
    %mul3A_7 = arith.constant 2.000000e+00 : f32
    %mul3A_8 = vector.broadcast %mul3A_7 : f32 to vector<128x8192xf32>
    %mul3A_9 = arith.mulf %mul3A_8, %dot_general3A_5 : vector<128x8192xf32>
    %sub3A = vector.broadcast %broadcast_in_dim3A : vector<128x1xf32> to vector<128x8192xf32>
    %sub3A_10 = arith.subf %sub3A, %mul3A_9 : vector<128x8192xf32>
    %get3A_11 = arith.constant 0 : index
    %get3A_12 = arith.constant 0 : index
    %get3A_13 = vector.load %arg3[%get3A_11, %get3A_12] : memref<1x8192xf32, #tpu.memory_space<vmem>>, vector<1x8192xf32>
    %add3A = vector.broadcast %get3A_13 : vector<1x8192xf32> to vector<128x8192xf32>
    %add3A_14 = arith.addf %sub3A_10, %add3A : vector<128x8192xf32>
    %swap3A = arith.constant 0 : index
    %swap3A_15 = arith.constant 0 : index
    %swap3A_16 = vector.load %arg4[%swap3A, %swap3A_15] : memref<128x8192xf32, #tpu.memory_space<vmem>>, vector<128x8192xf32>
    tpu.vector_store %arg4[%swap3A, %swap3A_15], %add3A_14 {strides = array<i32>} : memref<128x8192xf32, #tpu.memory_space<vmem>>, vector<128x8192xf32>,
    %reduce_min3A = arith.constant dense<0x7F800000> : vector<128xf32>
    %reduce_min3A_17 = vector.multi_reduction <minimumf>, %add3A_14, %reduce_min3A [1] : vector<128x8192xf32> to vector<128xf32>
    %broadcast_in_dim3A_18 = vector.shape_cast %reduce_min3A_17 : vector<128xf32> to vector<128x1xf32>
    %iota3A = tpu.iota {dimensions = array<i32: 1>} : vector<128x8192xi32>
    %eq3A = vector.broadcast %broadcast_in_dim3A_18 : vector<128x1xf32> to vector<128x8192xf32>
    %eq3A_19 = arith.cmpf oeq, %add3A_14, %eq3A : vector<128x8192xf32>
    %jit3A = arith.constant 8192 : i32
    %broadcast_in_dim3A_20 = vector.broadcast %jit3A : i32 to vector<128x8192xi32>
    %select_n3A = arith.select %eq3A_19, %iota3A, %broadcast_in_dim3A_20 : vector<128x8192xi1>, vector<128x8192xi32>
    %reduce_min3A_21 = arith.constant dense<2147483647> : vector<128xi32>
    %reduce_min3A_22 = vector.multi_reduction <minsi>, %select_n3A, %reduce_min3A_21 [1] : vector<128x8192xi32> to vector<128xi32>
    %reshape3A = vector.shape_cast %reduce_min3A_22 : vector<128xi32> to vector<1x1x128xi32>
    %swap3A_23 = arith.constant 0 : index
    %swap3A_24 = arith.constant 0 : index
    %swap3A_25 = arith.constant 0 : index
    %swap3A_26 = vector.load %arg6[%swap3A_23, %swap3A_24, %swap3A_25] : memref<1x1x128xi32, #tpu.memory_space<vmem>>, vector<1x1x128xi32>
    tpu.vector_store %arg6[%swap3A_23, %swap3A_24, %swap3A_25], %reshape3A {strides = array<i32>} : memref<1x1x128xi32, #tpu.memory_space<vmem>>, vector<1x1x128xi32>,
    %broadcast_in_dim3A_27 = vector.shape_cast %reduce_min3A_22 : vector<128xi32> to vector<128x1xi32>
    %eq3A_28 = vector.broadcast %broadcast_in_dim3A_27 : vector<128x1xi32> to vector<128x8192xi32>
    %eq3A_29 = arith.cmpi eq, %iota3A, %eq3A_28 : vector<128x8192xi32>
    %convert_element_type3A = arith.extui %eq3A_29 : vector<128x8192xi1> to vector<128x8192xi32>
    %convert_element_type3A_30 = arith.sitofp %convert_element_type3A : vector<128x8192xi32> to vector<128x8192xf32>
    %swap3A_31 = arith.constant 0 : index
    %swap3A_32 = arith.constant 0 : index
    %swap3A_33 = vector.load %arg5[%swap3A_31, %swap3A_32] : memref<128x8192xf32, #tpu.memory_space<vmem>>, vector<128x8192xf32>
    tpu.vector_store %arg5[%swap3A_31, %swap3A_32], %convert_element_type3A_30 {strides = array<i32>} : memref<128x8192xf32, #tpu.memory_space<vmem>>, vector<128x8192xf32>,
    %reduce_sum3A_34 = arith.constant dense<0.000000e+00> : vector<8192xf32>
    %reduce_sum3A_35 = vector.multi_reduction <add>, %convert_element_type3A_30, %reduce_sum3A_34 [0] : vector<128x8192xf32> to vector<8192xf32>
    %broadcast_in_dim3A_36 = vector.shape_cast %reduce_sum3A_35 : vector<8192xf32> to vector<1x8192xf32>
    %reduce_sum3A_37 = vector.shape_cast %broadcast_in_dim3A_18 : vector<128x1xf32> to vector<1x128x1xf32>
    %reduce_sum3A_38 = arith.constant dense<0.000000e+00> : vector<1xf32>
    %reduce_sum3A_39 = vector.multi_reduction <add>, %reduce_sum3A_37, %reduce_sum3A_38 [1, 2] : vector<1x128x1xf32> to vector<1xf32>
    %reduce_sum3A_40 = vector.shape_cast %reduce_sum3A_39 : vector<1xf32> to vector<1x1x1xf32>
    %reduce_sum3A_41 = vector.extract %reduce_sum3A_40[0, 0, 0] : f32 from vector<1x1x1xf32>
    %eq3A_42 = arith.constant 0 : i32
    %eq3A_43 = arith.cmpi eq, %arg0, %eq3A_42 : i32
    %convert_element_type3A_44 = arith.extui %eq3A_43 : i1 to i32
    %cond3A = arith.constant 0 : i32
    %cond3A_45 = arith.cmpi ne, %convert_element_type3A_44, %cond3A : i32
    scf.if %cond3A_45 {
      %swap3A_50 = arith.constant 0 : index
      %swap3A_51 = arith.constant 0 : index
      %swap3A_52 = vector.load %arg7[%swap3A_50, %swap3A_51] : memref<1x8192xf32, #tpu.memory_space<vmem>>, vector<1x8192xf32>
      tpu.vector_store %arg7[%swap3A_50, %swap3A_51], %broadcast_in_dim3A_36 {strides = array<i32>} : memref<1x8192xf32, #tpu.memory_space<vmem>>, vector<1x8192xf32>,
      %swap3A_53 = arith.constant 0 : index
      %swap3A_54 = arith.constant 0 : index
      %swap3A_55 = memref.load %arg8[%swap3A_53, %swap3A_54] : memref<1x1xf32, #tpu.memory_space<smem>>
      memref.store %reduce_sum3A_41, %arg8[%swap3A_53, %swap3A_54] : memref<1x1xf32, #tpu.memory_space<smem>>
      %get3A_56 = arith.constant 0 : index
      %get3A_57 = arith.constant 0 : index
      %get3A_58 = vector.load %arg2[%get3A_56, %get3A_57] : memref<256x8192xf32, #tpu.memory_space<vmem>>, vector<256x8192xf32>
      %transpose3A = tpu.transpose %get3A_58, [1, 0] : vector<256x8192xf32> -> vector<8192x256xf32>
      %swap3A_59 = arith.constant 0 : index
      %swap3A_60 = arith.constant 0 : index
      %swap3A_61 = vector.load %arg9[%swap3A_59, %swap3A_60] : memref<8192x256xf32, #tpu.memory_space<vmem>>, vector<8192x256xf32>
      tpu.vector_store %arg9[%swap3A_59, %swap3A_60], %transpose3A {strides = array<i32>} : memref<8192x256xf32, #tpu.memory_space<vmem>>, vector<8192x256xf32>,
    } else {
    }
    %ne3A = arith.constant 0 : i32
    %ne3A_46 = arith.cmpi ne, %arg0, %ne3A : i32
    %convert_element_type3A_47 = arith.extui %ne3A_46 : i1 to i32
    %cond3A_48 = arith.constant 0 : i32
    %cond3A_49 = arith.cmpi ne, %convert_element_type3A_47, %cond3A_48 : i32
    scf.if %cond3A_49 {
      %get3A_50 = arith.constant 0 : index
      %get3A_51 = arith.constant 0 : index
      %get3A_52 = vector.load %arg7[%get3A_50, %get3A_51] : memref<1x8192xf32, #tpu.memory_space<vmem>>, vector<1x8192xf32>
      %add3A_53 = arith.addf %get3A_52, %broadcast_in_dim3A_36 : vector<1x8192xf32>
      %swap3A_54 = arith.constant 0 : index
      %swap3A_55 = arith.constant 0 : index
      %swap3A_56 = vector.load %arg7[%swap3A_54, %swap3A_55] : memref<1x8192xf32, #tpu.memory_space<vmem>>, vector<1x8192xf32>
      tpu.vector_store %arg7[%swap3A_54, %swap3A_55], %add3A_53 {strides = array<i32>} : memref<1x8192xf32, #tpu.memory_space<vmem>>, vector<1x8192xf32>,
      %get3A_57 = arith.constant 0 : index
      %get3A_58 = arith.constant 0 : index
      %get3A_59 = memref.load %arg8[%get3A_57, %get3A_58] : memref<1x1xf32, #tpu.memory_space<smem>>
      %add3A_60 = arith.addf %get3A_59, %reduce_sum3A_41 : f32
      %swap3A_61 = arith.constant 0 : index
      %swap3A_62 = arith.constant 0 : index
      %swap3A_63 = memref.load %arg8[%swap3A_61, %swap3A_62] : memref<1x1xf32, #tpu.memory_space<smem>>
      memref.store %add3A_60, %arg8[%swap3A_61, %swap3A_62] : memref<1x1xf32, #tpu.memory_space<smem>>
    } else {
    }
    return
  }
  func.func @transform_0(%arg0: i32) -> (i32, i32) {
    %c0_i32 = arith.constant 0 : i32
    %c0_i32_0 = arith.constant 0 : i32
    return %arg0, %c0_i32 : i32, i32
  }
  func.func @transform_1(%arg0: i32) -> (i32, i32) {
    %c0_i32 = arith.constant 0 : i32
    %c0_i32_0 = arith.constant 0 : i32
    %c0_i32_1 = arith.constant 0 : i32
    return %c0_i32, %c0_i32_0 : i32, i32
  }
  func.func @transform_2(%arg0: i32) -> (i32, i32) {
    %c0_i32 = arith.constant 0 : i32
    %c0_i32_0 = arith.constant 0 : i32
    %c0_i32_1 = arith.constant 0 : i32
    return %c0_i32, %c0_i32_0 : i32, i32
  }
  func.func @transform_3(%arg0: i32) -> (i32, i32) {
    %c0_i32 = arith.constant 0 : i32
    %c0_i32_0 = arith.constant 0 : i32
    return %arg0, %c0_i32 : i32, i32
  }
  func.func @transform_4(%arg0: i32) -> (i32, i32) {
    %c0_i32 = arith.constant 0 : i32
    %c0_i32_0 = arith.constant 0 : i32
    return %arg0, %c0_i32 : i32, i32
  }
  func.func @transform_5(%arg0: i32) -> (i32, i32, i32) {
    %c0_i32 = arith.constant 0 : i32
    %c0_i32_0 = arith.constant 0 : i32
    %c0_i32_1 = arith.constant 0 : i32
    return %arg0, %c0_i32, %c0_i32_0 : i32, i32, i32
  }
  func.func @transform_6(%arg0: i32) -> (i32, i32) {
    %c0_i32 = arith.constant 0 : i32
    %c0_i32_0 = arith.constant 0 : i32
    %c0_i32_1 = arith.constant 0 : i32
    return %c0_i32, %c0_i32_0 : i32, i32
  }
  func.func @transform_7(%arg0: i32) -> (i32, i32) {
    %c0_i32 = arith.constant 0 : i32
    %c0_i32_0 = arith.constant 0 : i32
    %c0_i32_1 = arith.constant 0 : i32
    return %c0_i32, %c0_i32_0 : i32, i32
  }
  func.func @transform_8(%arg0: i32) -> (i32, i32) {
    %c0_i32 = arith.constant 0 : i32
    %c0_i32_0 = arith.constant 0 : i32
    %c0_i32_1 = arith.constant 0 : i32
    return %c0_i32, %c0_i32_0 : i32, i32
  }
}

module attributes {stable_mosaic.version = 14 : i64} {
  func.func @_ema_body(%arg0: i32, %arg1: memref<1x8192xf32, #tpu.memory_space<vmem>>, %arg2: memref<1x8192xf32, #tpu.memory_space<vmem>>, %arg3: memref<1x1xf32, #tpu.memory_space<smem>>, %arg4: memref<1x2xf32, #tpu.memory_space<smem>>, %arg5: memref<1024x256xf32, #tpu.memory_space<vmem>>, %arg6: memref<256x1024xf32, #tpu.memory_space<vmem>>, %arg7: memref<256x1024xf32, #tpu.memory_space<vmem>>, %arg8: memref<256x1024xf32, #tpu.memory_space<vmem>>, %arg9: memref<1x1xf32, #tpu.memory_space<smem>>, %arg10: memref<1x1xf32, #tpu.memory_space<smem>>, %arg11: memref<1x8192xf32, #tpu.memory_space<vmem>>) attributes {dimension_semantics = [#tpu.dimension_semantics<arbitrary>], iteration_bounds = array<i64: 8>, scalar_prefetch = 0 : i64, scratch_operands = 1 : i64, tpu.core_type = #tpu.core_type<tc>, window_params = [{pipeline_mode = #tpu.pipeline_mode<synchronous>, transform_indices = @transform_0, window_bounds = array<i64: 1, 8192>}, {pipeline_mode = #tpu.pipeline_mode<synchronous>, transform_indices = @transform_1, window_bounds = array<i64: 1, 8192>}, {transform_indices = @transform_2, window_bounds = array<i64: 1, 1>}, {transform_indices = @transform_3, window_bounds = array<i64: 1, 2>}, {transform_indices = @transform_4, window_bounds = array<i64: 1024, 256>}, {transform_indices = @transform_5, window_bounds = array<i64: 256, 1024>}, {transform_indices = @transform_6, window_bounds = array<i64: 256, 1024>}, {transform_indices = @transform_7, window_bounds = array<i64: 256, 1024>}, {transform_indices = @transform_8, window_bounds = array<i64: 1, 1>}, {transform_indices = @transform_9, window_bounds = array<i64: 1, 1>}]} {
    %get3A = arith.constant 0 : index
    %get3A_0 = arith.constant 0 : index
    %get3A_1 = memref.load %arg4[%get3A, %get3A_0] : memref<1x2xf32, #tpu.memory_space<smem>>
    %get3A_2 = arith.constant 0 : index
    %get3A_3 = arith.constant 1 : index
    %get3A_4 = memref.load %arg4[%get3A_2, %get3A_3] : memref<1x2xf32, #tpu.memory_space<smem>>
    %eq3A = arith.constant 0 : i32
    %eq3A_5 = arith.cmpi eq, %arg0, %eq3A : i32
    %convert_element_type3A = arith.extui %eq3A_5 : i1 to i32
    %cond3A = arith.constant 0 : i32
    %cond3A_6 = arith.cmpi ne, %convert_element_type3A, %cond3A : i32
    scf.if %cond3A_6 {
      %get3A_32 = arith.constant 0 : index
      %get3A_33 = arith.constant 0 : index
      %get3A_34 = vector.load %arg1[%get3A_32, %get3A_33] : memref<1x8192xf32, #tpu.memory_space<vmem>>, vector<1x8192xf32>
      %get3A_35 = arith.constant 0 : index
      %get3A_36 = arith.constant 0 : index
      %get3A_37 = vector.load %arg2[%get3A_35, %get3A_36] : memref<1x8192xf32, #tpu.memory_space<vmem>>, vector<1x8192xf32>
      %mul3A_38 = arith.constant 9.900000e-01 : f32
      %mul3A_39 = vector.broadcast %mul3A_38 : f32 to vector<1x8192xf32>
      %mul3A_40 = arith.mulf %get3A_37, %mul3A_39 : vector<1x8192xf32>
      %mul3A_41 = arith.constant 0.00999999977 : f32
      %mul3A_42 = vector.broadcast %mul3A_41 : f32 to vector<1x8192xf32>
      %mul3A_43 = arith.mulf %get3A_34, %mul3A_42 : vector<1x8192xf32>
      %add3A_44 = arith.addf %mul3A_40, %mul3A_43 : vector<1x8192xf32>
      %div3A_45 = vector.broadcast %get3A_1 : f32 to vector<1x8192xf32>
      %div3A_46 = arith.divf %add3A_44, %div3A_45 : vector<1x8192xf32>
      %reduce_sum3A = vector.shape_cast %div3A_46 : vector<1x8192xf32> to vector<1x1x8192xf32>
      %reduce_sum3A_47 = arith.constant dense<0.000000e+00> : vector<1xf32>
      %reduce_sum3A_48 = vector.multi_reduction <add>, %reduce_sum3A, %reduce_sum3A_47 [1, 2] : vector<1x1x8192xf32> to vector<1xf32>
      %reduce_sum3A_49 = vector.shape_cast %reduce_sum3A_48 : vector<1xf32> to vector<1x1x1xf32>
      %reduce_sum3A_50 = vector.extract %reduce_sum3A_49[0, 0, 0] : f32 from vector<1x1x1xf32>
      %add3A_51 = arith.constant 0.0819199979 : f32
      %add3A_52 = arith.addf %reduce_sum3A_50, %add3A_51 : f32
      %add3A_53 = arith.constant 9.99999974E-6 : f32
      %add3A_54 = vector.broadcast %add3A_53 : f32 to vector<1x8192xf32>
      %add3A_55 = arith.addf %div3A_46, %add3A_54 : vector<1x8192xf32>
      %mul3A_56 = vector.broadcast %reduce_sum3A_50 : f32 to vector<1x8192xf32>
      %mul3A_57 = arith.mulf %add3A_55, %mul3A_56 : vector<1x8192xf32>
      %div3A_58 = vector.broadcast %add3A_52 : f32 to vector<1x8192xf32>
      %div3A_59 = arith.divf %div3A_58, %mul3A_57 : vector<1x8192xf32>
      %swap3A_60 = arith.constant 0 : index
      %swap3A_61 = arith.constant 0 : index
      %swap3A_62 = vector.load %arg11[%swap3A_60, %swap3A_61] : memref<1x8192xf32, #tpu.memory_space<vmem>>, vector<1x8192xf32>
      tpu.vector_store %arg11[%swap3A_60, %swap3A_61], %div3A_59 {strides = array<i32>} : memref<1x8192xf32, #tpu.memory_space<vmem>>, vector<1x8192xf32>,
      %mul3A_63 = arith.constant 2.17013891E-4 : f32
      %mul3A_64 = vector.broadcast %mul3A_63 : f32 to vector<1x8192xf32>
      %mul3A_65 = arith.mulf %get3A_34, %mul3A_64 : vector<1x8192xf32>
      %add3A_66 = arith.constant 1.000000e-10 : f32
      %add3A_67 = vector.broadcast %add3A_66 : f32 to vector<1x8192xf32>
      %add3A_68 = arith.addf %mul3A_65, %add3A_67 : vector<1x8192xf32>
      %log3A = math.log %add3A_68 : vector<1x8192xf32>
      %mul3A_69 = arith.mulf %mul3A_65, %log3A : vector<1x8192xf32>
      %reduce_sum3A_70 = vector.shape_cast %mul3A_69 : vector<1x8192xf32> to vector<1x1x8192xf32>
      %reduce_sum3A_71 = arith.constant dense<0.000000e+00> : vector<1xf32>
      %reduce_sum3A_72 = vector.multi_reduction <add>, %reduce_sum3A_70, %reduce_sum3A_71 [1, 2] : vector<1x1x8192xf32> to vector<1xf32>
      %reduce_sum3A_73 = vector.shape_cast %reduce_sum3A_72 : vector<1xf32> to vector<1x1x1xf32>
      %reduce_sum3A_74 = vector.extract %reduce_sum3A_73[0, 0, 0] : f32 from vector<1x1x1xf32>
      %neg3A = arith.constant 0.000000e+00 : f32
      %neg3A_75 = arith.subf %neg3A, %reduce_sum3A_74 : f32
      %exp3A = math.exp %neg3A_75 : f32
      %swap3A_76 = arith.constant 0 : index
      %swap3A_77 = arith.constant 0 : index
      %swap3A_78 = memref.load %arg10[%swap3A_76, %swap3A_77] : memref<1x1xf32, #tpu.memory_space<smem>>
      memref.store %exp3A, %arg10[%swap3A_76, %swap3A_77] : memref<1x1xf32, #tpu.memory_space<smem>>
      %get3A_79 = arith.constant 0 : index
      %get3A_80 = arith.constant 0 : index
      %get3A_81 = memref.load %arg3[%get3A_79, %get3A_80] : memref<1x1xf32, #tpu.memory_space<smem>>
      %mul3A_82 = arith.constant 2.11927627E-7 : f32
      %mul3A_83 = arith.mulf %mul3A_82, %get3A_81 : f32
      %swap3A_84 = arith.constant 0 : index
      %swap3A_85 = arith.constant 0 : index
      %swap3A_86 = memref.load %arg9[%swap3A_84, %swap3A_85] : memref<1x1xf32, #tpu.memory_space<smem>>
      memref.store %mul3A_83, %arg9[%swap3A_84, %swap3A_85] : memref<1x1xf32, #tpu.memory_space<smem>>
    } else {
    }
    %get3A_7 = arith.constant 0 : index
    %get3A_8 = arith.constant 0 : index
    %get3A_9 = vector.load %arg5[%get3A_7, %get3A_8] : memref<1024x256xf32, #tpu.memory_space<vmem>>, vector<1024x256xf32>
    %transpose3A = tpu.transpose %get3A_9, [1, 0] : vector<1024x256xf32> -> vector<256x1024xf32>
    %get3A_10 = arith.constant 0 : index
    %get3A_11 = arith.constant 0 : index
    %get3A_12 = vector.load %arg6[%get3A_10, %get3A_11] : memref<256x1024xf32, #tpu.memory_space<vmem>>, vector<256x1024xf32>
    %mul3A = arith.constant 9.900000e-01 : f32
    %mul3A_13 = vector.broadcast %mul3A : f32 to vector<256x1024xf32>
    %mul3A_14 = arith.mulf %get3A_12, %mul3A_13 : vector<256x1024xf32>
    %mul3A_15 = arith.constant 0.00999999977 : f32
    %mul3A_16 = vector.broadcast %mul3A_15 : f32 to vector<256x1024xf32>
    %mul3A_17 = arith.mulf %transpose3A, %mul3A_16 : vector<256x1024xf32>
    %add3A = arith.addf %mul3A_14, %mul3A_17 : vector<256x1024xf32>
    %div3A = vector.broadcast %get3A_1 : f32 to vector<256x1024xf32>
    %div3A_18 = arith.divf %add3A, %div3A : vector<256x1024xf32>
    %mul3A_19 = arith.constant 1024 : i32
    %mul3A_20 = arith.muli %arg0, %mul3A_19 : i32
    %get3A_21 = arith.constant 0 : index
    %get3A_22 = arith.index_cast %mul3A_20 : i32 to index
    %get3A_23 = vector.load %arg11[%get3A_21, %get3A_22] : memref<1x8192xf32, #tpu.memory_space<vmem>>, vector<1x1024xf32>
    %ne3A = arith.constant 0.000000e+00 : f32
    %ne3A_24 = arith.cmpf one, %get3A_4, %ne3A : f32
    %mul3A_25 = vector.broadcast %get3A_23 : vector<1x1024xf32> to vector<256x1024xf32>
    %mul3A_26 = arith.mulf %div3A_18, %mul3A_25 : vector<256x1024xf32>
    %get3A_27 = arith.constant 0 : index
    %get3A_28 = arith.constant 0 : index
    %get3A_29 = vector.load %arg7[%get3A_27, %get3A_28] : memref<256x1024xf32, #tpu.memory_space<vmem>>, vector<256x1024xf32>
    %select_n3A = arith.select %ne3A_24, %mul3A_26, %get3A_29 : vector<256x1024xf32>
    %swap3A = arith.constant 0 : index
    %swap3A_30 = arith.constant 0 : index
    %swap3A_31 = vector.load %arg8[%swap3A, %swap3A_30] : memref<256x1024xf32, #tpu.memory_space<vmem>>, vector<256x1024xf32>
    tpu.vector_store %arg8[%swap3A, %swap3A_30], %select_n3A {strides = array<i32>} : memref<256x1024xf32, #tpu.memory_space<vmem>>, vector<256x1024xf32>,
    return
  }
  func.func @transform_0(%arg0: i32) -> (i32, i32) {
    %c0_i32 = arith.constant 0 : i32
    %c0_i32_0 = arith.constant 0 : i32
    %c0_i32_1 = arith.constant 0 : i32
    return %c0_i32, %c0_i32_0 : i32, i32
  }
  func.func @transform_1(%arg0: i32) -> (i32, i32) {
    %c0_i32 = arith.constant 0 : i32
    %c0_i32_0 = arith.constant 0 : i32
    %c0_i32_1 = arith.constant 0 : i32
    return %c0_i32, %c0_i32_0 : i32, i32
  }
  func.func @transform_2(%arg0: i32) -> (i32, i32) {
    %c0_i32 = arith.constant 0 : i32
    %c0_i32_0 = arith.constant 0 : i32
    %c0_i32_1 = arith.constant 0 : i32
    return %c0_i32, %c0_i32_0 : i32, i32
  }
  func.func @transform_3(%arg0: i32) -> (i32, i32) {
    %c0_i32 = arith.constant 0 : i32
    %c0_i32_0 = arith.constant 0 : i32
    %c0_i32_1 = arith.constant 0 : i32
    return %c0_i32, %c0_i32_0 : i32, i32
  }
  func.func @transform_4(%arg0: i32) -> (i32, i32) {
    %c0_i32 = arith.constant 0 : i32
    %c0_i32_0 = arith.constant 0 : i32
    return %arg0, %c0_i32 : i32, i32
  }
  func.func @transform_5(%arg0: i32) -> (i32, i32) {
    %c0_i32 = arith.constant 0 : i32
    %c0_i32_0 = arith.constant 0 : i32
    return %c0_i32, %arg0 : i32, i32
  }
  func.func @transform_6(%arg0: i32) -> (i32, i32) {
    %c0_i32 = arith.constant 0 : i32
    %c0_i32_0 = arith.constant 0 : i32
    return %c0_i32, %arg0 : i32, i32
  }
  func.func @transform_7(%arg0: i32) -> (i32, i32) {
    %c0_i32 = arith.constant 0 : i32
    %c0_i32_0 = arith.constant 0 : i32
    return %c0_i32, %arg0 : i32, i32
  }
  func.func @transform_8(%arg0: i32) -> (i32, i32) {
    %c0_i32 = arith.constant 0 : i32
    %c0_i32_0 = arith.constant 0 : i32
    %c0_i32_1 = arith.constant 0 : i32
    return %c0_i32, %c0_i32_0 : i32, i32
  }
  func.func @transform_9(%arg0: i32) -> (i32, i32) {
    %c0_i32 = arith.constant 0 : i32
    %c0_i32_0 = arith.constant 0 : i32
    %c0_i32_1 = arith.constant 0 : i32
    return %c0_i32, %c0_i32_0 : i32, i32
  }
}

</mosaic_0001>

<sc_bundles>
// kernel: kernel.5.cloned.1.call-start
scs
__scs_entry_jumppad:
0x0: {  	(pc) =	sbr.rel $0x88, $3  }
0x1: {  	(tag) =	ssettag $0x0;
	lr =	simm.s32 $0x1  }
0x2: {  	[smem:$0x3F9B] =	sst lr;
	_ =	strace $0xD0000000  }
0x3: {  	_ = 	snop  }
0x4: {  	_ = 	snop  }
0x5: {  	_ = 	snop  }
0x6: {  	_ = 	snop  }
0x7: {  	_ = 	snop  }
__scs_overlays_trampoline_lowered:
0x8: {  	[smem:$0x3FAA] =	sst s0  }
0x9: {  	[smem:$0x3FAB] =	sst s1  }
0xa: {  	[smem:$0x3FAC] =	sst s2  }
0xb: {  	[smem:$0x3FAD] =	sst s3  }
0xc: {  	[smem:$0x3FAE] =	sst s4  }
0xd: {  	[smem:$0x3FAF] =	sst s5  }
0xe: {  	[smem:$0x3FB0] =	sst s6  }
0xf: {  	[smem:$0x3FB1] =	sst s7  }
0x10: {  	[smem:$0x3FB2] =	sst s8  }
0x11: {  	[smem:$0x3FB3] =	sst s9;
	s0 =	simm.s32 @!p0 $0x0  }
0x12: {  	s1 =	sld [smem:$0x3F99];
	s0 =	simm.s32 @p0 $0x1  }
0x13: {  	[smem:$0x3FB4] =	sst s0;
	s0 =	simm.s32 @!p1 $0x0  }
0x14: {  	s2 =	sld [smem:$0x3F98];
	s0 =	simm.s32 @p1 $0x1  }
0x15: {  	[smem:$0x3FB5] =	sst s0;
	s0 =	simm.s32 @!p2 $0x0  }
0x16: {  	s3 =	sld [smem:$0x3FDB];
	s0 =	simm.s32 @p2 $0x1  }
0x17: {  	s4 =	simm.s32 $0x1BF5;
	[smem:$0x3FB7] =	sst s0  }
0x18: {  	s0 =	sld [smem:$0x3F9A];
	_ =	swait.ge [sflag:s4], $0x0  }
0x19: {  	s7 =	sld [smem:$0x3F9B]  }
0x1a: {  	s8 =	sadd.s32 $0xFFFFE003, lr  }
0x1b: {  	s9 =	sadd.s32 $0xFFFFFEF7, lr;
	s5 =	simm.s32 $0xFFFFFFFF;
	p2 =	slt.u32 s8, $0xFFFFF086  }
0x1c: {  	p1 =	slt.u32 s9, $0xF7A;
	s5 =	simm.s32 @!p2 $0x0  }
0x1d: {  	s5 =	simm.s32 @p1 $0x1;
	p0 =	seq.s32 s7, s2  }
0x1e: {  	s7 =	smul.u32 @!p0 $0xF7A, s2;
	p2 =	seq.s32 @!p0 s5, $0x0  }
0x1f: {  	s9 =	smul.u32 $0xF7A, s1;
	s8 =	simm.s32 @!p0 $0x1BF5;
	p2 =	por !p2, p0  }
0x20: {  	[sflag:s8] =	ssyncset.s32 @!p0 $0xFFFFF086;
	s6 =	sadd.s32 @!p0 s3, s7;
	s7 =	simm.s32 @!p0 $0x108  }
0x21: {  	s3 =	sadd.s32 s3, s9;
	s6 =	sadd.s32 @!p0 $0x88, s6;
	s7 =	simm.s32 @p2 $0x1082  }
0x22: {  	[simem:s7], [sflag:s8] =	dma.local @!p0 [hbm:s6], $0xF7A  }
0x23: {  	s9 =	sor.u32 $0xD0000000, s2;
	s6 =	simm.s32 $0x108;
	_ =	swait.ge @!p0 [sflag:s8], $0x0  }
0x24: {  	s3 =	sadd.s32 $0x88, s3;
	s6 =	simm.s32 @!p1 $0x1082;
	[sflag:s4] =	ssyncset.s32 $0xFFFFF086  }
0x25: {  	[simem:s6], [sflag:s4] =	dma.local [hbm:s3], $0xF7A  }
0x26: {  	[smem:$0x3F9B] =	sst s1;
	(tag) =	ssettag s2;
	_ =	strace s9  }
0x27: {  	s1 =	sld [smem:$0x3FAB]  }
0x28: {  	s2 =	sld [smem:$0x3FAC]  }
0x29: {  	s4 =	sld [smem:$0x3FAE]  }
0x2a: {  	p0 =	seq.s32 s5, $0x0;
	s5 =	sld [smem:$0x3FAF]  }
0x2b: {  	s6 =	sld [smem:$0x3FB0]  }
0x2c: {  	s7 =	sld [smem:$0x3FB1]  }
0x2d: {  	s3 =	simm.s32 $0x108;
	s8 =	sld [smem:$0x3FB2]  }
0x2e: {  	s3 =	simm.s32 @!p0 $0x1082;
	s9 =	sld [smem:$0x3FB3]  }
0x2f: {  	lr =	sadd.s32 s0, s3;
	s0 =	sld [smem:$0x3FAA]  }
0x30: {  	s3 =	sld [smem:$0x3FAD]  }
0x31: {  	[smem:$0x3FB6] =	sst s10  }
0x32: {  	s10 =	sld [smem:$0x3FB4];
	_ =	sdelay $0x3  }
0x33: {  	p0 =	seq.s32 s10, $0x1;
	s10 =	sld [smem:$0x3FB6];
	_ =	sdelay $0x3  }
0x34: {  	[smem:$0x3FB6] =	sst s10  }
0x35: {  	s10 =	sld [smem:$0x3FB5];
	_ =	sdelay $0x3  }
0x36: {  	p1 =	seq.s32 s10, $0x1;
	s10 =	sld [smem:$0x3FB6];
	_ =	sdelay $0x3  }
0x37: {  	[smem:$0x3FB6] =	sst s10  }
0x38: {  	s10 =	sld [smem:$0x3FB7]  }
0x39: {  	_ = 	snop;
	(pc) =	sbr.ind lr, $3  }
0x3a: {  	_ = 	snop  }
0x3b: {  	_ = 	snop  }
0x3c: {  	p2 =	seq.s32 s10, $0x1;
	s10 =	sld [smem:$0x3FB6]  }
0x3d: {  	_ =	shalt  }
0x3e: {  	_ =	shalt  }
0x3f: {  	_ =	shalt  }
0x40: {  	_ =	shalt  }
0x41: {  	_ =	shalt  }
0x42: {  	_ =	shalt  }
0x43: {  	_ =	shalt  }
0x44: {  	_ =	shalt  }
0x45: {  	_ =	shalt  }
0x46: {  	_ =	shalt  }
0x47: {  	_ =	shalt  }
0x48: {  	_ =	shalt  }
0x49: {  	_ =	shalt  }
0x4a: {  	_ =	shalt  }
0x4b: {  	_ =	shalt  }
0x4c: {  	_ =	shalt  }
0x4d: {  	_ =	shalt  }
0x4e: {  	_ =	shalt  }
0x4f: {  	_ =	shalt  }
0x50: {  	_ =	shalt  }
0x51: {  	_ =	shalt  }
0x52: {  	_ =	shalt  }
0x53: {  	_ =	shalt  }
0x54: {  	_ =	shalt  }
0x55: {  	_ =	shalt  }
0x56: {  	_ =	shalt  }
0x57: {  	_ =	shalt  }
0x58: {  	_ =	shalt  }
0x59: {  	_ =	shalt  }
0x5a: {  	_ =	shalt  }
0x5b: {  	_ =	shalt  }
0x5c: {  	_ =	shalt  }
0x5d: {  	_ =	shalt  }
0x5e: {  	_ =	shalt  }
0x5f: {  	_ =	shalt  }
0x60: {  	_ =	shalt  }
0x61: {  	_ =	shalt  }
0x62: {  	_ =	shalt  }
0x63: {  	_ =	shalt  }
0x64: {  	_ =	shalt  }
0x65: {  	_ =	shalt  }
0x66: {  	_ =	shalt  }
0x67: {  	_ =	shalt  }
0x68: {  	_ =	shalt  }
0x69: {  	_ =	shalt  }
0x6a: {  	_ =	shalt  }
0x6b: {  	_ =	shalt  }
0x6c: {  	_ =	shalt  }
0x6d: {  	_ =	shalt  }
0x6e: {  	_ =	shalt  }
0x6f: {  	_ =	shalt  }
0x70: {  	_ =	shalt  }
0x71: {  	_ =	shalt  }
0x72: {  	_ =	shalt  }
0x73: {  	_ =	shalt  }
0x74: {  	_ =	shalt  }
0x75: {  	_ =	shalt  }
0x76: {  	_ =	shalt  }
0x77: {  	_ =	shalt  }
0x78: {  	_ =	shalt  }
0x79: {  	_ =	shalt  }
0x7a: {  	_ =	shalt  }
0x7b: {  	_ =	shalt  }
0x7c: {  	_ =	shalt  }
0x7d: {  	_ =	shalt  }
0x7e: {  	_ =	shalt  }
0x7f: {  	_ =	shalt  }
0x80: {  	_ =	shalt  }
0x81: {  	_ =	shalt  }
0x82: {  	_ =	shalt  }
0x83: {  	_ =	shalt  }
0x84: {  	_ =	shalt  }
0x85: {  	_ =	shalt  }
0x86: {  	_ =	shalt  }
0x87: {  	_ =	shalt  }
.Lfunc_end0:
.L_simem_size_0:
called_computation_lowered:
.L_overlay_start_0:
0x88: {  	s2 =	sld [smem:$0x3FD9]  }
0x89: {  	s3 =	sld [smem:$0x3FFE];
	_ =	sdelay $0x1  }
0x8a: {  	s1 =	srdreg.scid  }
0x8b: {  	s0 =	sand.u32 $0x1, s1  }
0x8c: {  	s14 =	sshll.u32 s0, $0xA;
	s2 =	sadd.s32 s3, s2  }
0x8d: {  	s2 =	sadd.s32 s2, s14  }
0x8e: {  	[smem:$0x3FC2] =	sst s2  }
0x8f: {  	_ = 	snop  }
0x90: {  	s2 =	sld [smem:$0x3FD0];
	_ =	sdelay $0x2  }
0x91: {  	s4 =	simm.s32 $0xA;
	s5 =	simm.s32 $0x10;
	s15 =	sld [smem:$0x3FC9]  }
0x92: {  	[smem:s5], [sflag:s4] =	dma.local [hbm:s2], $0x1  }
0x93: {  	_ =	swait.eq [sflag:s4], $0x1  }
0x94: {  	[sflag:s4] =	ssyncset.done $0x0  }
0x95: {  	s16 =	sld [smem:$0x10];
	[sflag:s4] =	ssyncadd.s32 $0xFFFFFFFF  }
0x96: {  	s17 =	sld [smem:$0x16];
	(tm) =	ssettm $0x1  }
0x97: {  	s18 =	sld [smem:$0x3FFB];
	_ =	sdelay $0x3  }
0x98: {  	_ =	strace s18  }
0x99: {  	s5 =	sld [smem:$0x3FFC];
	_ =	sdelay $0x3  }
0x9a: {  	_ =	strace s5  }
0x9b: {  	s5 =	sld [smem:$0x3FFD];
	_ =	sdelay $0x3  }
0x9c: {  	_ =	strace s5  }
0x9d: {  	_ =	strace $0x8FFFFFFF  }
0x9e: {  	s19 =	sld [smem:$0x3FDB];
	_ =	sdelay $0x1  }
0x9f: {  	s6 =	simm.s32 $_scs_section_size  }
0xa0: {  	s7 =	simm.s32 $_size__tile_overlayer_lowered;
	s8 =	simm.s32 $_tile_overlayer_lowered  }
0xa1: {  	s22 =	simm.s32 $0x1BFF;
	s21 =	sshll.u32 s8, $0x1;
	s5 =	sadd.s32 s6, s19  }
0xa2: {  	s9 =	simm.s32 $0x0;
	s20 =	sshll.u32 s7, $0x1;
	s7 =	sadd.s32 s21, s5  }
0xa3: {  	[timem:s9], [sflag:s22] =	dma.local [hbm:s7], s20  }
0xa4: {  	_ =	swait.ge [sflag:s22], s20  }
0xa5: {  	s6 =	ssub.s32 $0x0, s20;
	[sflag:s22] =	ssyncset.done $0x0  }
0xa6: {  	[sflag:s22] =	ssyncadd.s32 s6;
	_ =	sdelay $0x1  }
0xa7: {  	s23 =	simm.s32 $0x1B8B  }
0xa8: {  	_ =	swait.ge [sflag:s23], $0x1  }
0xa9: {  	[sflag:s23] =	ssyncset.done $0x0  }
0xaa: {  	s25 =	simm.s32 $0x1B8E;
	s24 =	sld [smem:$0x3FFE];
	[sflag:s23] =	ssyncadd.s32 $0xFFFFFFFF  }
0xab: {  	s26 =	simm.s32 $execute0_lowered;
	[smem:$0x3FD2] =	sst s25  }
0xac: {  	s7 =	sshll.u32 s26, $0x1;
	_ =	strace $0x80000046;
	[dreg:$0x1] =	wrdreg $0xFFFFFFFF  }
0xad: {  	s28 =	simm.s32 $_size_execute0_lowered;
	s5 =	sadd.s32 s5, s7;
	[dreg:$0x0] =	wrdreg $0x0  }
0xae: {  	s7 =	sshll.u32 s28, $0x1;
	[dreg:$0x2] =	wrdreg s5  }
0xaf: {  	[dreg:$0x3] =	wrdreg s7  }
0xb0: {  	[dreg:$0x4] =	wrdreg $0xC0  }
0xb1: {  	_ =	task [dreg:s9], $0x5FFFF  }
0xb2: {  	[dreg:$0x1] =	wrdreg $0xFFFFFFFF  }
0xb3: {  	[dreg:$0x0] =	wrdreg $0x60  }
0xb4: {  	[dreg:$0x2] =	wrdreg s17  }
0xb5: {  	[dreg:$0x3] =	wrdreg s24  }
0xb6: {  	[dreg:$0x4] =	wrdreg s15  }
0xb7: {  	[dreg:$0x5] =	wrdreg s16  }
0xb8: {  	[dreg:$0x6] =	wrdreg $0xDA000  }
0xb9: {  	[dreg:$0x7] =	wrdreg $0x9  }
0xba: {  	_ =	task.clear_ibuf [dreg:s9], $0x8FFFF;
	_ =	strace $0x90000046  }
0xbb: {  	s29 =	simm.s32 $0x9;
	_ =	strace $0x80000048  }
0xbc: {  	_ =	swait.ge [sflag:s29], $0x1  }
0xbd: {  	[sflag:s29] =	ssyncadd.s32 $0xFFFFFFFF  }
0xbe: {  	_ =	strace $0x90000048  }
0xbf: {  	_ =	sfence  }
0xc0: {  	s30 =	sld [smem:$0x0];
	_ =	sdelay $0x2  }
0xc1: {  	s31 =	sshll.u32 s1, $0xD;
	s1 =	sshrl.u32 s1, $0x2  }
0xc2: {  	s3 =	sand.u32 $0x4000, s31;
	s1 =	sadd.s32 s1, s30  }
0xc3: {  	s0 =	sor.u32 s3, s0;
	s1 =	sshll.u32 s1, $0x11  }
0xc4: {  	s0 =	sor.u32 s1, s0  }
0xc5: {  	s0 =	sadd.s32 $0x8F2B, s0  }
0xc6: {  	[sflag:s0] =	ssyncadd.remote.s32 $0x1  }
0xc7: {  	_ =	sfence.sel $0xFFFF  }
0xc8: {  	[dreg:$0x0] =	wrdreg $0xFFFFFFFF;
	(pc) =	sbr.abs _section_cstart, $3  }
0xc9: {  	[dreg:$0x1] =	wrdreg $0xFFFFFFFF  }
0xca: {  	_ =	task.clear_ibuf [dreg:s9], $0x2FFFF;
	_ =	strace $0x9FFFFFFF  }
0xcb: {  	(tm) =	ssettm $0x7FFFFFFF  }
tec
execute0_lowered:
.L_overlay_start_1:
0x0: {  	(tag) =	ssettag $0x1  }
0x1: {  	s1 =	rddreg [dreg:$0x0]  }
0x2: {  	s0 =	rddreg [dreg:$0x1]  }
0x3: {  	s10 =	rddreg [dreg:$0x2]  }
0x4: {  	s8 =	rddreg [dreg:$0x3]  }
0x5: {  	s2 =	rddreg [dreg:$0x4]  }
0x6: {  	s4 =	simm.s32 $0x0;
	s5 =	srdreg.scid;
	s3 =	stileid.u32  }
0x7: {  	s17 =	simm.s32 $0x1080;
	s18 =	simm.s32 $0x1880;
	s28 =	simm.s32 $0x800  }
0x8: {  	s29 =	simm.s32 $0x4A00;
	s30 =	simm.s32 $0x120;
	s31 =	simm.s32 $0x8  }
0x9: {  	[smem:$0x7FF] =	sst s4;
	s5 =	sand.u32 $0x1, s5;
	s6 =	sshll.u32 s3, $0xD  }
0xa: {  	s7 =	sshll.u32 s3, $0x11;
	s11 =	sadd.s32 $0x1800, s0;
	s13 =	sshll.u32 s3, $0x1  }
0xb: {  	s20 =	sshll.u32 s3, $0x10;
	s21 =	sshll.u32 s3, $0x6;
	s24 =	smul.u32 $0x12000, s3  }
0xc: {  	s16 =	smul.u32 $0x24, s3;
	_ =	strace $0x80000047;
	s9 =	sshll.u32 s5, $0xA  }
0xd: {  	s6 =	sadd.s32 s6, s0;
	s12 =	ssub.s32 $0x2, s5;
	s5 =	sor.u32 s5, s13  }
0xe: {  	s13 =	sadd.s32 s20, s2;
	s20 =	simm.s32 $0x2880;
	s7 =	sor.u32 s9, s7  }
0xf: {  	s19 =	sshrl.u32 s12, $0x1;
	s6 =	sadd.s32 $0x1C00, s6;
	s14 =	smul.u32 $0x90, s5  }
0x10: {  	s15 =	smul.u32 $0x1200, s5;
	s5 =	sor.u32 $0x1C02, s21;
	s9 =	sor.u32 s9, s24  }
0x11: {  	s13 =	sshrl.u32 s13, $0x3;
	s21 =	simm.s32 $0x3080;
	s24 =	simm.s32 $0x1  }
0x12: {  	s7 =	sshrl.u32 s7, $0x3;
	s12 =	ssub.s32 s12, s19;
	[dreg:$0x6] =	wrdreg s6  }
0x13: {  	s26 =	sshrl.u32 s9, $0x3;
	s9 =	sadd.s32 s11, s16;
	s16 =	simm.s32 $0x880  }
0x14: {  	s19 =	simm.s32 $0x2080;
	s0 =	sadd.s32 s7, s0;
	s22 =	sshrl.u32 s14, $0x3  }
0x15: {  	s6 =	sadd.s32 s8, s15;
	s14 =	sadd.s32 $0x48, s14;
	s10 =	sadd.s32 s10, s26  }
0x16: {  	s12 =	smax.u32 s12, $0x1;
	s15 =	simm.s32 $0x80;
	s26 =	simm.s32 $0x400  }
0x17: {  	s23 =	sadd.s32 s11, s22;
	s25 =	sshrl.u32 s14, $0x3;
	s14 =	sshll.u32 s14, $0x5  }
0x18: {  	v2 =	vlaneseq.u32;
	s22 =	simm.s32 $0x3880;
	[dreg:$0x7] =	wrdreg s23;
	s7 =	sadd.s32 s11, s25  }
0x19: {  	vm0 =	vmmov $0xffff;
	v1 =	vshrl.u32 v2, $0x3;
	s8 =	sadd.s32 s8, s14;
	s11 =	sadd.s32 $0x21C00, s0;
	s14 =	simm.s32 $0x2  }
0x1a: {  	v0 =	vand.u32 $0x7, v2;
	v2 =	vor.u32 $0x8, v2;
	v1 =	vmul.u32 $0x8, v1;
	s23 =	simm.s32 $0x4080;
	s25 =	simm.s32 $0x4880;
	s0 =	simm.s32 $0x100  }
.LBB2_1:
0x1b: {  	s3 =	rddreg [dreg:$0x6]  }
0x1c: {  	[spmem:s13], [sflag:s5] =	dma.local [hbm:s3], $0x2000  }
0x1d: {  	_ =	swait.ge [sflag:s14], $0x2000  }
0x1e: {  	[sflag:s14] =	ssyncset.done $0x0  }
0x1f: {  	s3 =	rddreg [dreg:$0x7];
	[sflag:s14] =	ssyncadd.s32 $0xFFFFE000  }
0x20: {  	[tilespmem:s4], [sflag:$0x2] =	stream.linear.gather [hbm4b:s3+s4], $0x48, $0x38;
	[tilespmem:$0x1DA00] =	vst v63  }
0x21: {  	_ =	swait.ge [sflag:s14], $0x48  }
0x22: {  	[sflag:s14] =	ssyncset.done $0x0  }
0x23: {  	[sflag:s14] =	ssyncadd.s32 $0xFFFFFFB8  }
0x24: {  	v3 =	vld [tilespmem:$0x0];
	_ =	sdelay $0x4  }
0x25: {  	v4 =	vshll.u32 v3, $0x1  }
0x26: {  	v3 =	vand.u32 $0x7, v3;
	v4 =	vand.u32 $0xFFFFFFF0, v4  }
0x27: {  	v3 =	vor.u32 v3, v4  }
0x28: {  	v4 =	vperm.xlane v3, v0;
	_ =	sdelay $0x1  }
0x29: {  	v3 =	vperm.xlane v3, v2;
	v4 =	vadd.s32 v1, v4;
	_ =	sdelay $0x1  }
0x2a: {  	v3 =	vadd.s32 v1, v3;
	_ =	sdelay $0x2  }
0x2b: {  	[tilespmem:s15], [sflag:$0x1] =	stream.indirect_vreg.gather [hbm4b:s1+s4], $0x80, v4, vm0, $0xb8;
	[tilespmem:$0x1DA00] =	vst v63  }
0x2c: {  	_ = 	snop  }
0x2d: {  	[tilespmem:s16], [sflag:$0x1] =	stream.indirect_vreg.gather [hbm4b:s1+s4], $0x80, v3, vm0, $0xb8;
	[tilespmem:$0x1DA00] =	vst v63  }
0x2e: {  	v3 =	vld [tilespmem:$0x10];
	_ =	sdelay $0x4  }
0x2f: {  	v55 =	vshll.u32 v3, $0x1  }
0x30: {  	v3 =	vand.u32 $0x7, v3;
	v4 =	vand.u32 $0xFFFFFFF0, v55  }
0x31: {  	v3 =	vor.u32 v3, v4  }
0x32: {  	v4 =	vperm.xlane v3, v0;
	_ =	sdelay $0x1  }
0x33: {  	v3 =	vperm.xlane v3, v2;
	v4 =	vadd.s32 v1, v4;
	_ =	sdelay $0x1  }
0x34: {  	v3 =	vadd.s32 v1, v3;
	_ =	sdelay $0x2  }
0x35: {  	[tilespmem:s17], [sflag:$0x1] =	stream.indirect_vreg.gather [hbm4b:s1+s4], $0x80, v4, vm0, $0xb8;
	[tilespmem:$0x1DA00] =	vst v63  }
0x36: {  	_ = 	snop  }
0x37: {  	[tilespmem:s18], [sflag:$0x1] =	stream.indirect_vreg.gather [hbm4b:s1+s4], $0x80, v3, vm0, $0xb8;
	[tilespmem:$0x1DA00] =	vst v63  }
0x38: {  	v3 =	vld [tilespmem:$0x20];
	_ =	sdelay $0x4  }
0x39: {  	v56 =	vshll.u32 v3, $0x1  }
0x3a: {  	v3 =	vand.u32 $0x7, v3;
	v4 =	vand.u32 $0xFFFFFFF0, v56  }
0x3b: {  	v3 =	vor.u32 v3, v4  }
0x3c: {  	v4 =	vperm.xlane v3, v0;
	_ =	sdelay $0x1  }
0x3d: {  	v3 =	vperm.xlane v3, v2;
	v4 =	vadd.s32 v1, v4;
	_ =	sdelay $0x1  }
0x3e: {  	v3 =	vadd.s32 v1, v3;
	_ =	sdelay $0x2  }
0x3f: {  	[tilespmem:s19], [sflag:$0x1] =	stream.indirect_vreg.gather [hbm4b:s1+s4], $0x80, v4, vm0, $0xb8;
	[tilespmem:$0x1DA00] =	vst v63  }
0x40: {  	_ = 	snop  }
0x41: {  	[tilespmem:s20], [sflag:$0x1] =	stream.indirect_vreg.gather [hbm4b:s1+s4], $0x80, v3, vm0, $0xb8;
	[tilespmem:$0x1DA00] =	vst v63  }
0x42: {  	v3 =	vld [tilespmem:$0x30];
	_ =	sdelay $0x4  }
0x43: {  	v57 =	vshll.u32 v3, $0x1  }
0x44: {  	v3 =	vand.u32 $0x7, v3;
	v4 =	vand.u32 $0xFFFFFFF0, v57  }
0x45: {  	v3 =	vor.u32 v3, v4  }
0x46: {  	v4 =	vperm.xlane v3, v0;
	_ =	sdelay $0x1  }
0x47: {  	v3 =	vperm.xlane v3, v2;
	v4 =	vadd.s32 v1, v4;
	_ =	sdelay $0x1  }
0x48: {  	v3 =	vadd.s32 v1, v3;
	_ =	sdelay $0x2  }
0x49: {  	[tilespmem:s21], [sflag:$0x1] =	stream.indirect_vreg.gather [hbm4b:s1+s4], $0x80, v4, vm0, $0xb8;
	[tilespmem:$0x1DA00] =	vst v63  }
0x4a: {  	_ = 	snop  }
0x4b: {  	[tilespmem:s22], [sflag:$0x1] =	stream.indirect_vreg.gather [hbm4b:s1+s4], $0x80, v3, vm0, $0xb8;
	[tilespmem:$0x1DA00] =	vst v63  }
0x4c: {  	v3 =	vld.msk [tilespmem:$0x40], $0xff;
	_ =	sdelay $0x4  }
0x4d: {  	v58 =	vshll.u32 v3, $0x1  }
0x4e: {  	v3 =	vand.u32 $0x7, v3;
	v4 =	vand.u32 $0xFFFFFFF0, v58  }
0x4f: {  	v3 =	vor.u32 v3, v4  }
0x50: {  	v3 =	vperm.xlane v3, v0;
	_ =	sdelay $0x1  }
0x51: {  	v3 =	vadd.s32 v1, v3;
	_ =	sdelay $0x4  }
0x52: {  	[tilespmem:s23], [sflag:$0x1] =	stream.indirect_vreg.gather [hbm4b:s1+s4], $0x80, v3, vm0, $0xb8;
	[tilespmem:$0x1DA00] =	vst v63  }
0x53: {  	_ =	swait.ge [sflag:s24], $0x4800  }
0x54: {  	[sflag:s24] =	ssyncset.done $0x0  }
0x55: {  	[sflag:s24] =	ssyncadd.s32 $0xFFFFB800  }
0x56: {  	[hbm4b:s6+s4] =	stream.linear.scatter [tilespmem:s15], [sflag:$0x2], $0x4800, $0x38;
	[tilespmem:$0x1DA00] =	vst v63  }
0x57: {  	_ =	swait.ge [sflag:s14], $0x4800  }
0x58: {  	[sflag:s14] =	ssyncset.done $0x0  }
0x59: {  	[sflag:s14] =	ssyncadd.s32 $0xFFFFB800  }
0x5a: {  	[tilespmem:s4], [sflag:$0x2] =	stream.linear.gather [hbm4b:s7+s4], $0x48, $0x38;
	[tilespmem:$0x1DA00] =	vst v63  }
0x5b: {  	_ =	swait.ge [sflag:s14], $0x48  }
0x5c: {  	[sflag:s14] =	ssyncset.done $0x0  }
0x5d: {  	[sflag:s14] =	ssyncadd.s32 $0xFFFFFFB8  }
0x5e: {  	v3 =	vld [tilespmem:$0x0];
	_ =	sdelay $0x4  }
0x5f: {  	v59 =	vshll.u32 v3, $0x1  }
0x60: {  	v3 =	vand.u32 $0x7, v3;
	v4 =	vand.u32 $0xFFFFFFF0, v59  }
0x61: {  	v3 =	vor.u32 v3, v4  }
0x62: {  	v4 =	vperm.xlane v3, v0;
	_ =	sdelay $0x1  }
0x63: {  	v3 =	vperm.xlane v3, v2;
	v4 =	vadd.s32 v1, v4;
	_ =	sdelay $0x1  }
0x64: {  	v3 =	vadd.s32 v1, v3;
	_ =	sdelay $0x2  }
0x65: {  	[tilespmem:s15], [sflag:$0x1] =	stream.indirect_vreg.gather [hbm4b:s1+s4], $0x80, v4, vm0, $0xb8;
	[tilespmem:$0x1DA00] =	vst v63  }
0x66: {  	_ = 	snop  }
0x67: {  	[tilespmem:s16], [sflag:$0x1] =	stream.indirect_vreg.gather [hbm4b:s1+s4], $0x80, v3, vm0, $0xb8;
	[tilespmem:$0x1DA00] =	vst v63  }
0x68: {  	v3 =	vld [tilespmem:$0x10];
	_ =	sdelay $0x4  }
0x69: {  	v60 =	vshll.u32 v3, $0x1  }
0x6a: {  	v3 =	vand.u32 $0x7, v3;
	v4 =	vand.u32 $0xFFFFFFF0, v60  }
0x6b: {  	v3 =	vor.u32 v3, v4  }
0x6c: {  	v4 =	vperm.xlane v3, v0;
	_ =	sdelay $0x1  }
0x6d: {  	v3 =	vperm.xlane v3, v2;
	v4 =	vadd.s32 v1, v4;
	_ =	sdelay $0x1  }
0x6e: {  	v3 =	vadd.s32 v1, v3;
	_ =	sdelay $0x2  }
0x6f: {  	[tilespmem:s17], [sflag:$0x1] =	stream.indirect_vreg.gather [hbm4b:s1+s4], $0x80, v4, vm0, $0xb8;
	[tilespmem:$0x1DA00] =	vst v63  }
0x70: {  	_ = 	snop  }
0x71: {  	[tilespmem:s18], [sflag:$0x1] =	stream.indirect_vreg.gather [hbm4b:s1+s4], $0x80, v3, vm0, $0xb8;
	[tilespmem:$0x1DA00] =	vst v63  }
0x72: {  	v3 =	vld [tilespmem:$0x20];
	_ =	sdelay $0x4  }
0x73: {  	v61 =	vshll.u32 v3, $0x1  }
0x74: {  	v3 =	vand.u32 $0x7, v3;
	v4 =	vand.u32 $0xFFFFFFF0, v61  }
0x75: {  	v3 =	vor.u32 v3, v4  }
0x76: {  	v4 =	vperm.xlane v3, v0;
	_ =	sdelay $0x1  }
0x77: {  	v3 =	vperm.xlane v3, v2;
	v4 =	vadd.s32 v1, v4;
	_ =	sdelay $0x1  }
0x78: {  	v3 =	vadd.s32 v1, v3;
	_ =	sdelay $0x2  }
0x79: {  	[tilespmem:s19], [sflag:$0x1] =	stream.indirect_vreg.gather [hbm4b:s1+s4], $0x80, v4, vm0, $0xb8;
	[tilespmem:$0x1DA00] =	vst v63  }
0x7a: {  	_ = 	snop  }
0x7b: {  	[tilespmem:s20], [sflag:$0x1] =	stream.indirect_vreg.gather [hbm4b:s1+s4], $0x80, v3, vm0, $0xb8;
	[tilespmem:$0x1DA00] =	vst v63  }
0x7c: {  	v3 =	vld [tilespmem:$0x30];
	_ =	sdelay $0x4  }
0x7d: {  	v62 =	vshll.u32 v3, $0x1  }
0x7e: {  	v3 =	vand.u32 $0x7, v3;
	v4 =	vand.u32 $0xFFFFFFF0, v62  }
0x7f: {  	v3 =	vor.u32 v3, v4  }
0x80: {  	v4 =	vperm.xlane v3, v0;
	_ =	sdelay $0x1  }
0x81: {  	v3 =	vperm.xlane v3, v2;
	v4 =	vadd.s32 v1, v4;
	_ =	sdelay $0x1  }
0x82: {  	v3 =	vadd.s32 v1, v3;
	_ =	sdelay $0x2  }
0x83: {  	[tilespmem:s21], [sflag:$0x1] =	stream.indirect_vreg.gather [hbm4b:s1+s4], $0x80, v4, vm0, $0xb8;
	[tilespmem:$0x1DA00] =	vst v63  }
0x84: {  	_ = 	snop  }
0x85: {  	[tilespmem:s22], [sflag:$0x1] =	stream.indirect_vreg.gather [hbm4b:s1+s4], $0x80, v3, vm0, $0xb8;
	[tilespmem:$0x1DA00] =	vst v63  }
0x86: {  	v3 =	vld.msk [tilespmem:$0x40], $0xff;
	_ =	sdelay $0x4  }
0x87: {  	v63 =	vshll.u32 v3, $0x1  }
0x88: {  	v3 =	vand.u32 $0x7, v3;
	v4 =	vand.u32 $0xFFFFFFF0, v63  }
0x89: {  	v3 =	vor.u32 v3, v4  }
0x8a: {  	v3 =	vperm.xlane v3, v0;
	_ =	sdelay $0x1  }
0x8b: {  	v3 =	vadd.s32 v1, v3;
	_ =	sdelay $0x4  }
0x8c: {  	[tilespmem:s23], [sflag:$0x1] =	stream.indirect_vreg.gather [hbm4b:s1+s4], $0x80, v3, vm0, $0xb8;
	[tilespmem:$0x1DA00] =	vst v63  }
0x8d: {  	_ =	swait.ge [sflag:s24], $0x4800  }
0x8e: {  	[sflag:s24] =	ssyncset.done $0x0  }
0x8f: {  	[sflag:s24] =	ssyncadd.s32 $0xFFFFB800  }
0x90: {  	[hbm4b:s8+s4] =	stream.linear.scatter [tilespmem:s15], [sflag:$0x2], $0x4800, $0x38;
	[tilespmem:$0x1DA00] =	vst v63  }
0x91: {  	_ =	swait.ge [sflag:s14], $0x4800  }
0x92: {  	[sflag:s14] =	ssyncset.done $0x0  }
0x93: {  	[sflag:s14] =	ssyncadd.s32 $0xFFFFB800  }
0x94: {  	[tilespmem:s25], [sflag:$0x2] =	stream.linear.gather [hbm4b:s9+s4], $0x120, $0x38;
	[tilespmem:$0x1DA00] =	vst v63  }
0x95: {  	_ =	swait.ge [sflag:s14], $0x120  }
0x96: {  	[sflag:s14] =	ssyncset.done $0x0  }
0x97: {  	[sflag:s14] =	ssyncadd.s32 $0xFFFFFEE0  }
0x98: {  	[tilespmem:s29], [sflag:$0x2] =	stream.strided.gather [hbm4b:s10+s26], $0x9000, s28, s26, $0x38;
	[tilespmem:$0x1DA00] =	vst v63  }
0x99: {  	_ =	swait.ge [sflag:s14], $0x9000  }
0x9a: {  	[sflag:s14] =	ssyncset.done $0x0  }
0x9b: {  	[sflag:s14] =	ssyncadd.s32 $0xFFFF7000  }
0x9c: {  	[bflag:$0x0] =	sbarrier.arrive $0xFFFF  }
0x9d: {  	[spmem:s2] =	stream.indirect.scatter.add.f32 [tilespmem:s29], [sflag:$0x2], $0x80, s25, s30, $0xb8;
	[tilespmem:$0x1DA00] =	vst v63  }
0x9e: {  	_ =	swait.ge [sflag:s14], $0x9000  }
0x9f: {  	[sflag:s14] =	ssyncset.done $0x0  }
0xa0: {  	p0 =	sne.s32 s12, $0x1;
	[sflag:s14] =	ssyncadd.s32 $0xFFFF7000  }
.Ltmp0:
0xa1: {  	[bflag:$0x0] =	sbarrier.arrive $0xFFFF;
	(pc) =	sbr.rel @p0 .LBB2_1-.Ltmp0, $4  }
0xa2: {  	[hbm:s11@s0], [sflag:s5] =	dma.strided [spmem:s13@s15], $0x2000, s31, $0x10   }
0xa3: {  	_ =	swait.ge [sflag:s14], $0x2000  }
0xa4: {  	[sflag:s14] =	ssyncset.done $0x0  }
0xa5: {  	s12 =	sadd.s32 $0xFFFFFFFF, s12;
	[sflag:s14] =	ssyncadd.s32 $0xFFFFE000  }
0xa6: {  	_ =	sfence.sel $0x180000  }
0xa7: {  	[bflag:$0x0] =	sbarrier.arrive $0xFFFF  }
0xa8: {  	_ =	strace $0x90000047  }
0xa9: {  	s0 =	stileid.u32;
	[bflag:$0x2] =	sbarrier.arrive $0xFFFF  }
0xaa: {  	p0 =	sne.s32 s0, $0x0;
	s0 =	rddreg [dreg:$0x5]  }
0xab: {  	s0 =	sadd.s32 @!p0 $0x100000, s0  }
0xac: {  	[sflag:s0] =	ssyncadd.tile.s32 @!p0 $0x1;
	_ =	shalt  }
.Lfunc_end2:
_tile_overlayer_lowered:
.L_overlay_start_2:
0xad: {  	(tag) =	ssettag $0x2  }
0xae: {  	s0 =	rddreg [dreg:$0x0];
	s2 =	stileid.u32  }
0xaf: {  	s1 =	rddreg [dreg:$0x1];
	p0 =	sne.s32 s2, $0x0  }
0xb0: {  	s3 =	rddreg [dreg:$0x2];
	[bflag:$0x3] =	sbarrier.arrive $0xFFFF;
	s2 =	simm.s32 @!p0 $0x1C02  }
0xb1: {  	[timem:s3], [sflag:s2] =	dma.local @!p0 [hbm:s0], s1  }
0xb2: {  	s0 =	simm.s32 @!p0 $0x2  }
0xb3: {  	_ =	swait.ge @!p0 [sflag:s0], s1  }
0xb4: {  	s1 =	ssub.s32 @!p0 $0x0, s1;
	[sflag:s0] =	ssyncset.done @!p0 $0x0  }
0xb5: {  	[sflag:s0] =	ssyncadd.s32 @!p0 s1  }
0xb6: {  	[bflag:$0x3] =	sbarrier.arrive $0xFFFF  }
0xb7: {  	_ =	shalt  }

</sc_bundles>
